<compile_context>
chip_gen: v7x
topology: tpu7x:2x2x1
jax: 0.10.2.dev20260603
libtpu: 0.0.44.dev20260713+nightly
codegen_flags: <defaults>
</compile_context>

<pallas_src>
import functools

import jax
import jax.numpy as jnp
from jax import lax
from jax.experimental import pallas as pl
from jax.experimental.pallas import tpu as pltpu
from jax.experimental.pallas import tpu_sc as plsc

N = 10000
NP = 10240
E = 320000
EP = 327680
CHUNK = 128
NCHUNK = EP // (16 * CHUNK)
GROUP = 16
GSEG = 32
ROWS_PER_TILE = NP // 16

@functools.lru_cache(maxsize=1)
def _make_segsum():
    mesh = plsc.VectorSubcoreMesh(
        core_axis_name="c", subcore_axis_name="s", num_cores=2, num_subcores=16)

    @functools.partial(
        pl.kernel,
        out_type=jax.ShapeDtypeStruct((2, NP, 128), jnp.float32),
        mesh=mesh,
        scratch_types=[
            pltpu.VMEM((GSEG, CHUNK), jnp.int32),
            pltpu.VMEM((GSEG, CHUNK), jnp.int32),
            pltpu.VMEM((CHUNK, 128), jnp.float32),
            pltpu.VMEM((CHUNK, 128), jnp.float32),
            pltpu.VMEM_SHARED((NP, 128), jnp.float32),
            pltpu.SemaphoreType.DMA,
            pltpu.SemaphoreType.DMA,
            pltpu.SemaphoreType.DMA,
            pltpu.SemaphoreType.DMA,
        ],
    )
    def _segsum(h_flat, src2, dstp, zblk, agg_out,
                src_v, dst_v, rows_a, rows_b, agg_sh, ga, gb, sa, sb):
        c = lax.axis_index("c")
        s = lax.axis_index("s")
        pltpu.sync_copy(zblk, agg_sh.at[pl.ds(s * ROWS_PER_TILE, ROWS_PER_TILE)])
        plsc.subcore_barrier()

        def gather(j, buf, sem):
            pltpu.async_copy(h_flat.at[src_v.at[j]], buf, sem)

        def gwait(buf, sem):
            pltpu.make_async_copy(h_flat.at[src_v.at[0]], buf, sem).wait()

        def scat(j, buf, sem):
            pltpu.async_copy(buf, agg_sh.at[dst_v.at[j]], sem, add=True)

        def swait(buf, sem):
            pltpu.make_async_copy(buf, agg_sh.at[dst_v.at[0]], sem).wait()

        NPAIR = GSEG // 2

        def group(g, carry):
            pltpu.sync_copy(src2.at[c, s, pl.ds(g * GSEG, GSEG)], src_v)
            pltpu.sync_copy(dstp.at[s, pl.ds(g * GSEG, GSEG)], dst_v)
            gather(0, rows_a, ga)

            def pair(p, carry2):
                j0 = 2 * p
                gwait(rows_a, ga)

                @pl.when(p > 0)
                def _():
                    swait(rows_b, sb)

                gather(j0 + 1, rows_b, gb)
                scat(j0, rows_a, sa)
                gwait(rows_b, gb)
                swait(rows_a, sa)

                @pl.when(p < NPAIR - 1)
                def _():
                    gather(j0 + 2, rows_a, ga)

                scat(j0 + 1, rows_b, sb)
                return carry2

            carry = lax.fori_loop(0, NPAIR, pair, carry)
            swait(rows_b, sb)
            return carry

        lax.fori_loop(0, NCHUNK // GSEG, group, 0)
        plsc.subcore_barrier()
        pltpu.sync_copy(agg_sh.at[pl.ds(s * ROWS_PER_TILE, ROWS_PER_TILE)],
                        agg_out.at[c, pl.ds(s * ROWS_PER_TILE, ROWS_PER_TILE)])

    return _segsum


NCHUNK_X = EP // (2 * 16 * CHUNK)


@functools.lru_cache(maxsize=1)
def _make_segsum_x():
    mesh = plsc.VectorSubcoreMesh(
        core_axis_name="c", subcore_axis_name="s", num_cores=2, num_subcores=16)

    @functools.partial(
        pl.kernel,
        out_type=jax.ShapeDtypeStruct((2, NP, 128), jnp.float32),
        mesh=mesh,
        scratch_types=[
            pltpu.VMEM((GROUP, CHUNK), jnp.int32),
            pltpu.VMEM((GROUP, CHUNK), jnp.int32),
            pltpu.VMEM((CHUNK, 128), jnp.float32),
            pltpu.VMEM((CHUNK, 128), jnp.float32),
            pltpu.VMEM_SHARED((NP, 128), jnp.float32),
            pltpu.SemaphoreType.DMA,
            pltpu.SemaphoreType.DMA,
            pltpu.SemaphoreType.DMA,
            pltpu.SemaphoreType.DMA,
        ],
    )
    def _segsum_x(x_tab, srcx, dstx, zblk, acc_out,
                  src_v, dst_v, rows_a, rows_b, agg_sh, ga, gb, sa, sb):
        c = lax.axis_index("c")
        s = lax.axis_index("s")
        pltpu.sync_copy(zblk, agg_sh.at[pl.ds(s * ROWS_PER_TILE, ROWS_PER_TILE)])
        plsc.subcore_barrier()

        def gather(j, buf, sem):
            pltpu.async_copy(x_tab.at[src_v.at[j]], buf, sem)

        def gwait(buf, sem):
            pltpu.make_async_copy(x_tab.at[src_v.at[0]], buf, sem).wait()

        def scat(j, buf, sem):
            pltpu.async_copy(buf, agg_sh.at[dst_v.at[j]], sem, add=True)

        def swait(buf, sem):
            pltpu.make_async_copy(buf, agg_sh.at[dst_v.at[0]], sem).wait()

        NPAIR = GROUP // 2

        def group(g, carry):
            pltpu.sync_copy(srcx.at[c, s, pl.ds(g * GROUP, GROUP)], src_v)
            pltpu.sync_copy(dstx.at[c, s, pl.ds(g * GROUP, GROUP)], dst_v)
            gather(0, rows_a, ga)

            def pair(p, carry2):
                j0 = 2 * p
                gwait(rows_a, ga)

                @pl.when(p > 0)
                def _():
                    swait(rows_b, sb)

                gather(j0 + 1, rows_b, gb)
                scat(j0, rows_a, sa)
                gwait(rows_b, gb)
                swait(rows_a, sa)

                @pl.when(p < NPAIR - 1)
                def _():
                    gather(j0 + 2, rows_a, ga)

                scat(j0 + 1, rows_b, sb)
                return carry2

            carry = lax.fori_loop(0, NPAIR, pair, carry)
            swait(rows_b, sb)
            return carry

        lax.fori_loop(0, NCHUNK_X // GROUP, group, 0)
        plsc.subcore_barrier()
        pltpu.sync_copy(agg_sh.at[pl.ds(s * ROWS_PER_TILE, ROWS_PER_TILE)],
                        acc_out.at[c, pl.ds(s * ROWS_PER_TILE, ROWS_PER_TILE)])

    return _segsum_x


_BM = 512
_NBLK = NP // _BM


def _proj_body(x_ref, w_ref, out_ref):
    out_ref[0] = jnp.dot(x_ref[...], w_ref[...],
                         preferred_element_type=jnp.float32)


def _proj_in(x_pad, W_in):
    return pl.pallas_call(
        _proj_body,
        grid=(2, _NBLK),
        in_specs=[
            pl.BlockSpec((_BM, 128), lambda c, i: (i, 0)),
            pl.BlockSpec((128, 128), lambda c, i: (0, c)),
        ],
        out_specs=pl.BlockSpec((1, _BM, 128), lambda c, i: (c, i, 0)),
        out_shape=jax.ShapeDtypeStruct((2, NP, 128), jnp.float32),
    )(x_pad, W_in)


def _gin0_body(h_ref, a_ref, w1_ref, wx1_ref, b1_ref, w2_ref, b2_ref, out_ref):
    hf = jnp.concatenate([h_ref[0], h_ref[1]], axis=-1)
    ax = a_ref[0] + a_ref[1]
    u = jnp.maximum(
        jnp.dot(hf, w1_ref[...], preferred_element_type=jnp.float32)
        + jnp.dot(ax, wx1_ref[...], preferred_element_type=jnp.float32)
        + b1_ref[...], 0.0)
    h2 = jnp.dot(u, w2_ref[...], preferred_element_type=jnp.float32) + b2_ref[...]
    out_ref[0] = h2[:, :128]
    out_ref[1] = h2[:, 128:]


def _gin0_layer(h_cat, ax_pair, W1, Wx1, b1, W2, b2):
    full = lambda i: (0, 0)
    return pl.pallas_call(
        _gin0_body,
        grid=(_NBLK,),
        in_specs=[
            pl.BlockSpec((2, _BM, 128), lambda i: (0, i, 0)),
            pl.BlockSpec((2, _BM, 128), lambda i: (0, i, 0)),
            pl.BlockSpec((256, 256), full),
            pl.BlockSpec((128, 256), full),
            pl.BlockSpec((1, 256), full),
            pl.BlockSpec((256, 256), full),
            pl.BlockSpec((1, 256), full),
        ],
        out_specs=pl.BlockSpec((2, _BM, 128), lambda i: (0, i, 0)),
        out_shape=jax.ShapeDtypeStruct((2, NP, 128), jnp.float32),
    )(h_cat, ax_pair, W1, Wx1, b1, W2, b2)


def _gin_body(h_ref, a_ref, w1_ref, b1_ref, w2_ref, b2_ref, out_ref):
    hf = jnp.concatenate([h_ref[0] + a_ref[0], h_ref[1] + a_ref[1]], axis=-1)
    u = jnp.maximum(jnp.dot(hf, w1_ref[...],
                            preferred_element_type=jnp.float32) + b1_ref[...], 0.0)
    h2 = jnp.dot(u, w2_ref[...], preferred_element_type=jnp.float32) + b2_ref[...]
    out_ref[0] = h2[:, :128]
    out_ref[1] = h2[:, 128:]


def _gin_layer(h_cat, agg_cat, W1, b1, W2, b2):
    full = lambda i: (0, 0)
    return pl.pallas_call(
        _gin_body,
        grid=(_NBLK,),
        in_specs=[
            pl.BlockSpec((2, _BM, 128), lambda i: (0, i, 0)),
            pl.BlockSpec((2, _BM, 128), lambda i: (0, i, 0)),
            pl.BlockSpec((256, 256), full),
            pl.BlockSpec((1, 256), full),
            pl.BlockSpec((256, 256), full),
            pl.BlockSpec((1, 256), full),
        ],
        out_specs=pl.BlockSpec((2, _BM, 128), lambda i: (0, i, 0)),
        out_shape=jax.ShapeDtypeStruct((2, NP, 128), jnp.float32),
    )(h_cat, agg_cat, W1, b1, W2, b2)


def _readout_body(h_ref, a_ref, w1_ref, b1_ref, w2_ref, b2_ref,
                  wp_ref, bp_ref, out_ref, acc_ref):
    i = pl.program_id(0)
    hf = jnp.concatenate([h_ref[0] + a_ref[0], h_ref[1] + a_ref[1]], axis=-1)
    t = jnp.maximum(jnp.dot(hf, w1_ref[...],
                            preferred_element_type=jnp.float32) + b1_ref[...], 0.0)
    row = lax.broadcasted_iota(jnp.int32, (_BM, 1), 0) + i * _BM
    t = jnp.where(row < N, t, 0.0)
    part = jnp.sum(t, axis=0, keepdims=True)

    @pl.when(i == 0)
    def _():
        acc_ref[...] = jnp.zeros_like(acc_ref)

    acc_ref[...] += part

    @pl.when(i == _NBLK - 1)
    def _():
        pooled = acc_ref[...] * (1.0 / N)
        y = jnp.dot(pooled, w2_ref[...],
                    preferred_element_type=jnp.float32) + b2_ref[...]
        out_ref[...] = jnp.dot(y, wp_ref[...],
                               preferred_element_type=jnp.float32) + bp_ref[...]


def _readout(h_cat, agg_cat, W1, b1, W2, b2, W_p, b_p):
    full = lambda i: (0, 0)
    return pl.pallas_call(
        _readout_body,
        grid=(_NBLK,),
        in_specs=[
            pl.BlockSpec((2, _BM, 128), lambda i: (0, i, 0)),
            pl.BlockSpec((2, _BM, 128), lambda i: (0, i, 0)),
            pl.BlockSpec((256, 256), full),
            pl.BlockSpec((1, 256), full),
            pl.BlockSpec((256, 256), full),
            pl.BlockSpec((1, 256), full),
            pl.BlockSpec((256, 128), full),
            pl.BlockSpec((1, 128), full),
        ],
        out_specs=pl.BlockSpec((1, 128), full),
        out_shape=jax.ShapeDtypeStruct((1, 128), jnp.float32),
        scratch_shapes=[pltpu.VMEM((1, 256), jnp.float32)],
    )(h_cat, agg_cat, W1, b1, W2, b2, W_p, b_p)


def kernel(x, edge_index, W_in, W1_0, b1_0, W2_0, b2_0,
           W1_1, b1_1, W2_1, b2_1, W_p, b_p):
    x_pad = jnp.pad(x, ((0, NP - N), (0, 0)))
    src = jnp.pad(edge_index[0], (0, EP - E), constant_values=N)
    dst = jnp.pad(edge_index[1], (0, EP - E), constant_values=N)
    src2 = jnp.stack([src, src + NP]).reshape(2, 16, NCHUNK, CHUNK)
    dstp = dst.reshape(16, NCHUNK, CHUNK)
    srcx = src.reshape(2, 16, NCHUNK_X, CHUNK)
    dstx = dst.reshape(2, 16, NCHUNK_X, CHUNK)
    zblk = jnp.zeros((ROWS_PER_TILE, 128), jnp.float32)

    b1_0r = b1_0.reshape(1, 256)
    b2_0r = b2_0.reshape(1, 256)
    b1_1r = b1_1.reshape(1, 256)
    b2_1r = b2_1.reshape(1, 256)
    b_pr = b_p.reshape(1, 128)

    Wx1 = W_in @ W1_0
    aggx = _make_segsum_x()(x_pad, srcx, dstx, zblk)
    h_cat = _proj_in(x_pad, W_in)
    h1 = _gin0_layer(h_cat, aggx, W1_0, Wx1, b1_0r, W2_0, b2_0r)
    agg1 = _make_segsum()(h1.reshape(2 * NP, 128), src2, dstp, zblk)
    return _readout(h1, agg1, W1_1, b1_1r, W2_1, b2_1r, W_p, b_pr)

# --- scband reference (transcript-rebuilt; emitter-appended) ---
"""Pipeline reference for scband-base-gnn-80633716015115 (READ-ONLY COPY).

The authoritative reference and input builder live on the scoring server;
editing this copy changes nothing except your own understanding.
"""

import jax, jax.numpy as jnp
import numpy as np

N = 10000
E = 320000
D_IN = 128
D = 256
D_OUT = 128


def setup_inputs(seed: int = 0) -> dict:
    key = jax.random.key(seed)
    ks = jax.random.split(key, 16)
    x = jax.random.normal(ks[0], (N, D_IN), dtype=jnp.float32)
    edge_index = jax.random.randint(ks[1], (2, E), 0, N, dtype=jnp.int32)

    def lin(k, fan_in, fan_out):
        bound = 1.0 / np.sqrt(fan_in)
        return jax.random.uniform(k, (fan_in, fan_out), dtype=jnp.float32, minval=-bound, maxval=bound)

    W_in = lin(ks[2], D_IN, D)
    W1_0 = lin(ks[3], D, D); b1_0 = jnp.zeros((D,), dtype=jnp.float32)
    W2_0 = lin(ks[4], D, D); b2_0 = jnp.zeros((D,), dtype=jnp.float32)
    W1_1 = lin(ks[5], D, D); b1_1 = jnp.zeros((D,), dtype=jnp.float32)
    W2_1 = lin(ks[6], D, D); b2_1 = jnp.zeros((D,), dtype=jnp.float32)
    W_p = lin(ks[7], D, D_OUT)
    b_p = jnp.zeros((D_OUT,), dtype=jnp.float32)
    return {"x": x, "edge_index": edge_index, "W_in": W_in,
            "W1_0": W1_0, "b1_0": b1_0, "W2_0": W2_0, "b2_0": b2_0,
            "W1_1": W1_1, "b1_1": b1_1, "W2_1": W2_1, "b2_1": b2_1,
            "W_p": W_p, "b_p": b_p}


def reference(x, edge_index, W_in, W1_0, b1_0, W2_0, b2_0, W1_1, b1_1, W2_1, b2_1, W_p, b_p):
    src = edge_index[0]
    dst = edge_index[1]
    # proj_in (no bias)
    h = x @ W_in
    # GIN layer 0: sum aggregation (eps=0) + 2-layer MLP
    agg = jax.ops.segment_sum(h[src], dst, num_segments=N)
    h = jnp.maximum((h + agg) @ W1_0 + b1_0, 0.0) @ W2_0 + b2_0
    # GIN layer 1
    agg = jax.ops.segment_sum(h[src], dst, num_segments=N)
    h = jnp.maximum((h + agg) @ W1_1 + b1_1, 0.0) @ W2_1 + b2_1
    # mean readout over nodes (single graph in batch)
    pooled = jnp.mean(h, axis=0, keepdims=True)
    # predictor
    out = pooled @ W_p + b_p
    return out

if __name__ == "__main__":
    import jax
    _d = setup_inputs()
    print(jax.jit(kernel)(*tuple(_d.values())))

</pallas_src>

<mosaic_0001>
#map = affine_map<(d0, d1) -> (0, 0)>
#map1 = affine_map<(d0, d1) -> (0, 0, 0, 0)>
#map2 = affine_map<(d0, d1) -> (0, 0, 0)>
module attributes {stable_mosaic.version = 14 : i64} {
  func.func @_segsum_x(%arg0: i32, %arg1: i32, %arg2: memref<10240x128xf32, #tpu.memory_space<hbm>>, %arg3: memref<2x16x80x128xi32, #tpu.memory_space<hbm>>, %arg4: memref<2x16x80x128xi32, #tpu.memory_space<hbm>>, %arg5: memref<640x128xf32, #tpu.memory_space<hbm>>, %arg6: memref<2x10240x128xf32, #tpu.memory_space<hbm>>, %arg7: memref<16x128xi32, #tpu.memory_space<vmem>>, %arg8: memref<16x128xi32, #tpu.memory_space<vmem>>, %arg9: memref<128x128xf32, #tpu.memory_space<vmem>>, %arg10: memref<128x128xf32, #tpu.memory_space<vmem>>, %arg11: memref<10240x128xf32, #tpu.memory_space<vmem_shared>>, %arg12: memref<!tpu.dma_semaphore, #tpu.memory_space<semaphore_mem>>, %arg13: memref<!tpu.dma_semaphore, #tpu.memory_space<semaphore_mem>>, %arg14: memref<!tpu.dma_semaphore, #tpu.memory_space<semaphore_mem>>, %arg15: memref<!tpu.dma_semaphore, #tpu.memory_space<semaphore_mem>>) attributes {dimension_semantics = [#tpu.dimension_semantics<core_parallel>, #tpu.dimension_semantics<subcore_parallel>], iteration_bounds = array<i64: 2, 16>, scalar_prefetch = 0 : i64, scratch_operands = 9 : i64, tpu.core_type = #tpu.core_type<sc_vector_subcore>, window_params = [{transform_indices = #map}, {transform_indices = #map1}, {transform_indices = #map1}, {transform_indices = #map}, {transform_indices = #map2}]} {
    %mul3A = arith.constant 640 : i32
    %mul3A_0 = arith.muli %arg1, %mul3A : i32
    "tpu.region"() ({
      %run_scoped3A = tpu.sem_alloc : memref<!tpu.dma_semaphore, #tpu.memory_space<semaphore_mem>>
      %dma_start3A = arith.constant 0 : i32
      %dma_start3A_11 = tpu.memref_slice %arg11[%mul3A_0, %dma_start3A] : memref<10240x128xf32, #tpu.memory_space<vmem_shared>> -> memref<640x128xf32, #tpu.memory_space<vmem_shared>>
      tpu.enqueue_dma source(%arg5 : memref<640x128xf32, #tpu.memory_space<hbm>>) target(%dma_start3A_11 : memref<640x128xf32, #tpu.memory_space<vmem_shared>>) target_semaphore(%run_scoped3A : memref<!tpu.dma_semaphore, #tpu.memory_space<semaphore_mem>>)
      %dma_wait3A = arith.constant 0 : i32
      %dma_wait3A_12 = tpu.memref_slice %arg11[%mul3A_0, %dma_wait3A] : memref<10240x128xf32, #tpu.memory_space<vmem_shared>> -> memref<640x128xf32, #tpu.memory_space<vmem_shared>>
      tpu.wait_dma2 semaphore(%run_scoped3A : memref<!tpu.dma_semaphore, #tpu.memory_space<semaphore_mem>>) src(%arg5 : memref<640x128xf32, #tpu.memory_space<hbm>>) dst(%dma_wait3A_12 : memref<640x128xf32, #tpu.memory_space<vmem_shared>>)
      tpu.yield
    }) : () -> ()
    %barrier3A = arith.constant 0 : index
    tpu.barrier barrier_id(%barrier3A)
    %scan3A = arith.constant 0 : i32
    %scan3A_1 = arith.constant 0 : i32
    %scan3A_2 = arith.constant 5 : i32
    %scan3A_3 = arith.addi %scan3A_1, %scan3A_2 : i32
    %scan3A_4 = arith.constant 1 : i32
    scf.for %scan3A_11 = %scan3A_1 to %scan3A_3 step %scan3A_4  : i32 {
      %mul3A_12 = arith.constant 16 : i32
      %mul3A_13 = arith.muli %scan3A_11, %mul3A_12 : i32
      "tpu.region"() ({
        %run_scoped3A = tpu.sem_alloc : memref<!tpu.dma_semaphore, #tpu.memory_space<semaphore_mem>>
        %dma_start3A_33 = arith.constant 0 : i32
        %dma_start3A_34 = tpu.memref_slice %arg3[%arg0, %arg1, %mul3A_13, %dma_start3A_33] : memref<2x16x80x128xi32, #tpu.memory_space<hbm>> -> memref<1x1x16x128xi32, #tpu.memory_space<hbm>>
        %dma_start3A_35 = tpu.memref_squeeze %dma_start3A_34 : memref<1x1x16x128xi32, #tpu.memory_space<hbm>> -> memref<16x128xi32, #tpu.memory_space<hbm>>
        %dma_start3A_36 = arith.constant 0 : i32
        %dma_start3A_37 = tpu.memref_slice %arg3[%arg0, %arg1, %mul3A_13, %dma_start3A_36] : memref<2x16x80x128xi32, #tpu.memory_space<hbm>> -> memref<1x1x16x128xi32, #tpu.memory_space<hbm>>
        %dma_start3A_38 = tpu.memref_squeeze %dma_start3A_37 : memref<1x1x16x128xi32, #tpu.memory_space<hbm>> -> memref<16x128xi32, #tpu.memory_space<hbm>>
        tpu.enqueue_dma source(%dma_start3A_38 : memref<16x128xi32, #tpu.memory_space<hbm>>) target(%arg7 : memref<16x128xi32, #tpu.memory_space<vmem>>) target_semaphore(%run_scoped3A : memref<!tpu.dma_semaphore, #tpu.memory_space<semaphore_mem>>)
        %dma_wait3A_39 = arith.constant 0 : i32
        %dma_wait3A_40 = tpu.memref_slice %arg3[%arg0, %arg1, %mul3A_13, %dma_wait3A_39] : memref<2x16x80x128xi32, #tpu.memory_space<hbm>> -> memref<1x1x16x128xi32, #tpu.memory_space<hbm>>
        %dma_wait3A_41 = tpu.memref_squeeze %dma_wait3A_40 : memref<1x1x16x128xi32, #tpu.memory_space<hbm>> -> memref<16x128xi32, #tpu.memory_space<hbm>>
        %dma_wait3A_42 = arith.constant 0 : i32
        %dma_wait3A_43 = tpu.memref_slice %arg3[%arg0, %arg1, %mul3A_13, %dma_wait3A_42] : memref<2x16x80x128xi32, #tpu.memory_space<hbm>> -> memref<1x1x16x128xi32, #tpu.memory_space<hbm>>
        %dma_wait3A_44 = tpu.memref_squeeze %dma_wait3A_43 : memref<1x1x16x128xi32, #tpu.memory_space<hbm>> -> memref<16x128xi32, #tpu.memory_space<hbm>>
        tpu.wait_dma2 semaphore(%run_scoped3A : memref<!tpu.dma_semaphore, #tpu.memory_space<semaphore_mem>>) src(%dma_wait3A_44 : memref<16x128xi32, #tpu.memory_space<hbm>>) dst(%arg7 : memref<16x128xi32, #tpu.memory_space<vmem>>)
        tpu.yield
      }) : () -> ()
      %mul3A_14 = arith.constant 16 : i32
      %mul3A_15 = arith.muli %scan3A_11, %mul3A_14 : i32
      "tpu.region"() ({
        %run_scoped3A = tpu.sem_alloc : memref<!tpu.dma_semaphore, #tpu.memory_space<semaphore_mem>>
        %dma_start3A_33 = arith.constant 0 : i32
        %dma_start3A_34 = tpu.memref_slice %arg4[%arg0, %arg1, %mul3A_15, %dma_start3A_33] : memref<2x16x80x128xi32, #tpu.memory_space<hbm>> -> memref<1x1x16x128xi32, #tpu.memory_space<hbm>>
        %dma_start3A_35 = tpu.memref_squeeze %dma_start3A_34 : memref<1x1x16x128xi32, #tpu.memory_space<hbm>> -> memref<16x128xi32, #tpu.memory_space<hbm>>
        %dma_start3A_36 = arith.constant 0 : i32
        %dma_start3A_37 = tpu.memref_slice %arg4[%arg0, %arg1, %mul3A_15, %dma_start3A_36] : memref<2x16x80x128xi32, #tpu.memory_space<hbm>> -> memref<1x1x16x128xi32, #tpu.memory_space<hbm>>
        %dma_start3A_38 = tpu.memref_squeeze %dma_start3A_37 : memref<1x1x16x128xi32, #tpu.memory_space<hbm>> -> memref<16x128xi32, #tpu.memory_space<hbm>>
        tpu.enqueue_dma source(%dma_start3A_38 : memref<16x128xi32, #tpu.memory_space<hbm>>) target(%arg8 : memref<16x128xi32, #tpu.memory_space<vmem>>) target_semaphore(%run_scoped3A : memref<!tpu.dma_semaphore, #tpu.memory_space<semaphore_mem>>)
        %dma_wait3A_39 = arith.constant 0 : i32
        %dma_wait3A_40 = tpu.memref_slice %arg4[%arg0, %arg1, %mul3A_15, %dma_wait3A_39] : memref<2x16x80x128xi32, #tpu.memory_space<hbm>> -> memref<1x1x16x128xi32, #tpu.memory_space<hbm>>
        %dma_wait3A_41 = tpu.memref_squeeze %dma_wait3A_40 : memref<1x1x16x128xi32, #tpu.memory_space<hbm>> -> memref<16x128xi32, #tpu.memory_space<hbm>>
        %dma_wait3A_42 = arith.constant 0 : i32
        %dma_wait3A_43 = tpu.memref_slice %arg4[%arg0, %arg1, %mul3A_15, %dma_wait3A_42] : memref<2x16x80x128xi32, #tpu.memory_space<hbm>> -> memref<1x1x16x128xi32, #tpu.memory_space<hbm>>
        %dma_wait3A_44 = tpu.memref_squeeze %dma_wait3A_43 : memref<1x1x16x128xi32, #tpu.memory_space<hbm>> -> memref<16x128xi32, #tpu.memory_space<hbm>>
        tpu.wait_dma2 semaphore(%run_scoped3A : memref<!tpu.dma_semaphore, #tpu.memory_space<semaphore_mem>>) src(%dma_wait3A_44 : memref<16x128xi32, #tpu.memory_space<hbm>>) dst(%arg8 : memref<16x128xi32, #tpu.memory_space<vmem>>)
        tpu.yield
      }) : () -> ()
      %dma_start3A = arith.constant 0 : i32
      %dma_start3A_16 = arith.constant 0 : i32
      %dma_start3A_17 = tpu.memref_slice %arg7[%dma_start3A, %dma_start3A_16] : memref<16x128xi32, #tpu.memory_space<vmem>> -> memref<1x128xi32, #tpu.memory_space<vmem>>
      %dma_start3A_18 = tpu.memref_squeeze %dma_start3A_17 : memref<1x128xi32, #tpu.memory_space<vmem>> -> memref<128xi32, #tpu.memory_space<vmem>>
      %dma_start3A_19 = arith.constant 0 : i32
      %dma_start3A_20 = arith.constant 0 : i32
      %dma_start3A_21 = tpu.memref_slice %arg2[%dma_start3A_19, %dma_start3A_20] : memref<10240x128xf32, #tpu.memory_space<hbm>> -> memref<10240x128xf32, #tpu.memory_space<hbm>>
      tpu.enqueue_indirect_dma source(%dma_start3A_21 : memref<10240x128xf32, #tpu.memory_space<hbm>>) target(%arg9 : memref<128x128xf32, #tpu.memory_space<vmem>>) offsets(%dma_start3A_18 : memref<128xi32, #tpu.memory_space<vmem>>) semaphore(%arg12 : memref<!tpu.dma_semaphore, #tpu.memory_space<semaphore_mem>>)
      %scan3A_22 = arith.constant 0 : i32
      %scan3A_23 = arith.constant 8 : i32
      %scan3A_24 = arith.addi %scan3A_22, %scan3A_23 : i32
      %scan3A_25 = arith.constant 1 : i32
      scf.for %scan3A_33 = %scan3A_22 to %scan3A_24 step %scan3A_25  : i32 {
        %mul3A_34 = arith.constant 2 : i32
        %mul3A_35 = arith.muli %mul3A_34, %scan3A_33 : i32
        %dma_wait3A_36 = arith.constant 0 : i32
        %dma_wait3A_37 = arith.constant 0 : i32
        %dma_wait3A_38 = tpu.memref_slice %arg7[%dma_wait3A_36, %dma_wait3A_37] : memref<16x128xi32, #tpu.memory_space<vmem>> -> memref<1x128xi32, #tpu.memory_space<vmem>>
        %dma_wait3A_39 = tpu.memref_squeeze %dma_wait3A_38 : memref<1x128xi32, #tpu.memory_space<vmem>> -> memref<128xi32, #tpu.memory_space<vmem>>
        %dma_wait3A_40 = arith.constant 0 : i32
        %dma_wait3A_41 = arith.constant 0 : i32
        %dma_wait3A_42 = tpu.memref_slice %arg2[%dma_wait3A_40, %dma_wait3A_41] : memref<10240x128xf32, #tpu.memory_space<hbm>> -> memref<10240x128xf32, #tpu.memory_space<hbm>>
        tpu.wait_indirect_dma semaphore(%arg12 : memref<!tpu.dma_semaphore, #tpu.memory_space<semaphore_mem>>) src(%dma_wait3A_42 : memref<10240x128xf32, #tpu.memory_space<hbm>>) dst(%arg9 : memref<128x128xf32, #tpu.memory_space<vmem>>)
        %gt3A = arith.constant 0 : i32
        %gt3A_43 = arith.cmpi sgt, %scan3A_33, %gt3A : i32
        %convert_element_type3A = arith.extui %gt3A_43 : i1 to i32
        %cond3A = arith.constant 0 : i32
        %cond3A_44 = arith.cmpi ne, %convert_element_type3A, %cond3A : i32
        scf.if %cond3A_44 {
          %dma_wait3A_84 = arith.constant 0 : i32
          %dma_wait3A_85 = arith.constant 0 : i32
          %dma_wait3A_86 = tpu.memref_slice %arg8[%dma_wait3A_84, %dma_wait3A_85] : memref<16x128xi32, #tpu.memory_space<vmem>> -> memref<1x128xi32, #tpu.memory_space<vmem>>
          %dma_wait3A_87 = tpu.memref_squeeze %dma_wait3A_86 : memref<1x128xi32, #tpu.memory_space<vmem>> -> memref<128xi32, #tpu.memory_space<vmem>>
          %dma_wait3A_88 = arith.constant 0 : i32
          %dma_wait3A_89 = arith.constant 0 : i32
          %dma_wait3A_90 = tpu.memref_slice %arg11[%dma_wait3A_88, %dma_wait3A_89] : memref<10240x128xf32, #tpu.memory_space<vmem_shared>> -> memref<10240x128xf32, #tpu.memory_space<vmem_shared>>
          tpu.wait_indirect_dma semaphore(%arg15 : memref<!tpu.dma_semaphore, #tpu.memory_space<semaphore_mem>>) src(%arg10 : memref<128x128xf32, #tpu.memory_space<vmem>>) dst(%dma_wait3A_90 : memref<10240x128xf32, #tpu.memory_space<vmem_shared>>)
        } else {
        }
        %add3A = arith.constant 1 : i32
        %add3A_45 = arith.addi %mul3A_35, %add3A : i32
        %dma_start3A_46 = arith.constant 0 : i32
        %dma_start3A_47 = tpu.memref_slice %arg7[%add3A_45, %dma_start3A_46] : memref<16x128xi32, #tpu.memory_space<vmem>> -> memref<1x128xi32, #tpu.memory_space<vmem>>
        %dma_start3A_48 = tpu.memref_squeeze %dma_start3A_47 : memref<1x128xi32, #tpu.memory_space<vmem>> -> memref<128xi32, #tpu.memory_space<vmem>>
        %dma_start3A_49 = arith.constant 0 : i32
        %dma_start3A_50 = arith.constant 0 : i32
        %dma_start3A_51 = tpu.memref_slice %arg2[%dma_start3A_49, %dma_start3A_50] : memref<10240x128xf32, #tpu.memory_space<hbm>> -> memref<10240x128xf32, #tpu.memory_space<hbm>>
        tpu.enqueue_indirect_dma source(%dma_start3A_51 : memref<10240x128xf32, #tpu.memory_space<hbm>>) target(%arg10 : memref<128x128xf32, #tpu.memory_space<vmem>>) offsets(%dma_start3A_48 : memref<128xi32, #tpu.memory_space<vmem>>) semaphore(%arg13 : memref<!tpu.dma_semaphore, #tpu.memory_space<semaphore_mem>>)
        %dma_start3A_52 = arith.constant 0 : i32
        %dma_start3A_53 = tpu.memref_slice %arg8[%mul3A_35, %dma_start3A_52] : memref<16x128xi32, #tpu.memory_space<vmem>> -> memref<1x128xi32, #tpu.memory_space<vmem>>
        %dma_start3A_54 = tpu.memref_squeeze %dma_start3A_53 : memref<1x128xi32, #tpu.memory_space<vmem>> -> memref<128xi32, #tpu.memory_space<vmem>>
        %dma_start3A_55 = arith.constant 0 : i32
        %dma_start3A_56 = arith.constant 0 : i32
        %dma_start3A_57 = tpu.memref_slice %arg11[%dma_start3A_55, %dma_start3A_56] : memref<10240x128xf32, #tpu.memory_space<vmem_shared>> -> memref<10240x128xf32, #tpu.memory_space<vmem_shared>>
        tpu.enqueue_indirect_dma source(%arg9 : memref<128x128xf32, #tpu.memory_space<vmem>>) target(%dma_start3A_57 : memref<10240x128xf32, #tpu.memory_space<vmem_shared>>) offsets(%dma_start3A_54 : memref<128xi32, #tpu.memory_space<vmem>>) semaphore(%arg14 : memref<!tpu.dma_semaphore, #tpu.memory_space<semaphore_mem>>) {add = true}
        %dma_wait3A_58 = arith.constant 0 : i32
        %dma_wait3A_59 = arith.constant 0 : i32
        %dma_wait3A_60 = tpu.memref_slice %arg7[%dma_wait3A_58, %dma_wait3A_59] : memref<16x128xi32, #tpu.memory_space<vmem>> -> memref<1x128xi32, #tpu.memory_space<vmem>>
        %dma_wait3A_61 = tpu.memref_squeeze %dma_wait3A_60 : memref<1x128xi32, #tpu.memory_space<vmem>> -> memref<128xi32, #tpu.memory_space<vmem>>
        %dma_wait3A_62 = arith.constant 0 : i32
        %dma_wait3A_63 = arith.constant 0 : i32
        %dma_wait3A_64 = tpu.memref_slice %arg2[%dma_wait3A_62, %dma_wait3A_63] : memref<10240x128xf32, #tpu.memory_space<hbm>> -> memref<10240x128xf32, #tpu.memory_space<hbm>>
        tpu.wait_indirect_dma semaphore(%arg13 : memref<!tpu.dma_semaphore, #tpu.memory_space<semaphore_mem>>) src(%dma_wait3A_64 : memref<10240x128xf32, #tpu.memory_space<hbm>>) dst(%arg10 : memref<128x128xf32, #tpu.memory_space<vmem>>)
        %dma_wait3A_65 = arith.constant 0 : i32
        %dma_wait3A_66 = arith.constant 0 : i32
        %dma_wait3A_67 = tpu.memref_slice %arg8[%dma_wait3A_65, %dma_wait3A_66] : memref<16x128xi32, #tpu.memory_space<vmem>> -> memref<1x128xi32, #tpu.memory_space<vmem>>
        %dma_wait3A_68 = tpu.memref_squeeze %dma_wait3A_67 : memref<1x128xi32, #tpu.memory_space<vmem>> -> memref<128xi32, #tpu.memory_space<vmem>>
        %dma_wait3A_69 = arith.constant 0 : i32
        %dma_wait3A_70 = arith.constant 0 : i32
        %dma_wait3A_71 = tpu.memref_slice %arg11[%dma_wait3A_69, %dma_wait3A_70] : memref<10240x128xf32, #tpu.memory_space<vmem_shared>> -> memref<10240x128xf32, #tpu.memory_space<vmem_shared>>
        tpu.wait_indirect_dma semaphore(%arg14 : memref<!tpu.dma_semaphore, #tpu.memory_space<semaphore_mem>>) src(%arg9 : memref<128x128xf32, #tpu.memory_space<vmem>>) dst(%dma_wait3A_71 : memref<10240x128xf32, #tpu.memory_space<vmem_shared>>)
        %lt3A = arith.constant 7 : i32
        %lt3A_72 = arith.cmpi slt, %scan3A_33, %lt3A : i32
        %convert_element_type3A_73 = arith.extui %lt3A_72 : i1 to i32
        %cond3A_74 = arith.constant 0 : i32
        %cond3A_75 = arith.cmpi ne, %convert_element_type3A_73, %cond3A_74 : i32
        scf.if %cond3A_75 {
          %add3A_84 = arith.constant 2 : i32
          %add3A_85 = arith.addi %mul3A_35, %add3A_84 : i32
          %dma_start3A_86 = arith.constant 0 : i32
          %dma_start3A_87 = tpu.memref_slice %arg7[%add3A_85, %dma_start3A_86] : memref<16x128xi32, #tpu.memory_space<vmem>> -> memref<1x128xi32, #tpu.memory_space<vmem>>
          %dma_start3A_88 = tpu.memref_squeeze %dma_start3A_87 : memref<1x128xi32, #tpu.memory_space<vmem>> -> memref<128xi32, #tpu.memory_space<vmem>>
          %dma_start3A_89 = arith.constant 0 : i32
          %dma_start3A_90 = arith.constant 0 : i32
          %dma_start3A_91 = tpu.memref_slice %arg2[%dma_start3A_89, %dma_start3A_90] : memref<10240x128xf32, #tpu.memory_space<hbm>> -> memref<10240x128xf32, #tpu.memory_space<hbm>>
          tpu.enqueue_indirect_dma source(%dma_start3A_91 : memref<10240x128xf32, #tpu.memory_space<hbm>>) target(%arg9 : memref<128x128xf32, #tpu.memory_space<vmem>>) offsets(%dma_start3A_88 : memref<128xi32, #tpu.memory_space<vmem>>) semaphore(%arg12 : memref<!tpu.dma_semaphore, #tpu.memory_space<semaphore_mem>>)
        } else {
        }
        %add3A_76 = arith.constant 1 : i32
        %add3A_77 = arith.addi %mul3A_35, %add3A_76 : i32
        %dma_start3A_78 = arith.constant 0 : i32
        %dma_start3A_79 = tpu.memref_slice %arg8[%add3A_77, %dma_start3A_78] : memref<16x128xi32, #tpu.memory_space<vmem>> -> memref<1x128xi32, #tpu.memory_space<vmem>>
        %dma_start3A_80 = tpu.memref_squeeze %dma_start3A_79 : memref<1x128xi32, #tpu.memory_space<vmem>> -> memref<128xi32, #tpu.memory_space<vmem>>
        %dma_start3A_81 = arith.constant 0 : i32
        %dma_start3A_82 = arith.constant 0 : i32
        %dma_start3A_83 = tpu.memref_slice %arg11[%dma_start3A_81, %dma_start3A_82] : memref<10240x128xf32, #tpu.memory_space<vmem_shared>> -> memref<10240x128xf32, #tpu.memory_space<vmem_shared>>
        tpu.enqueue_indirect_dma source(%arg10 : memref<128x128xf32, #tpu.memory_space<vmem>>) target(%dma_start3A_83 : memref<10240x128xf32, #tpu.memory_space<vmem_shared>>) offsets(%dma_start3A_80 : memref<128xi32, #tpu.memory_space<vmem>>) semaphore(%arg15 : memref<!tpu.dma_semaphore, #tpu.memory_space<semaphore_mem>>) {add = true}
      }
      %scan3A_26 = arith.constant 8 : i32
      %dma_wait3A = arith.constant 0 : i32
      %dma_wait3A_27 = arith.constant 0 : i32
      %dma_wait3A_28 = tpu.memref_slice %arg8[%dma_wait3A, %dma_wait3A_27] : memref<16x128xi32, #tpu.memory_space<vmem>> -> memref<1x128xi32, #tpu.memory_space<vmem>>
      %dma_wait3A_29 = tpu.memref_squeeze %dma_wait3A_28 : memref<1x128xi32, #tpu.memory_space<vmem>> -> memref<128xi32, #tpu.memory_space<vmem>>
      %dma_wait3A_30 = arith.constant 0 : i32
      %dma_wait3A_31 = arith.constant 0 : i32
      %dma_wait3A_32 = tpu.memref_slice %arg11[%dma_wait3A_30, %dma_wait3A_31] : memref<10240x128xf32, #tpu.memory_space<vmem_shared>> -> memref<10240x128xf32, #tpu.memory_space<vmem_shared>>
      tpu.wait_indirect_dma semaphore(%arg15 : memref<!tpu.dma_semaphore, #tpu.memory_space<semaphore_mem>>) src(%arg10 : memref<128x128xf32, #tpu.memory_space<vmem>>) dst(%dma_wait3A_32 : memref<10240x128xf32, #tpu.memory_space<vmem_shared>>)
    }
    %scan3A_5 = arith.constant 5 : i32
    %barrier3A_6 = arith.constant 0 : index
    tpu.barrier barrier_id(%barrier3A_6)
    %mul3A_7 = arith.constant 640 : i32
    %mul3A_8 = arith.muli %arg1, %mul3A_7 : i32
    %mul3A_9 = arith.constant 640 : i32
    %mul3A_10 = arith.muli %arg1, %mul3A_9 : i32
    "tpu.region"() ({
      %run_scoped3A = tpu.sem_alloc : memref<!tpu.dma_semaphore, #tpu.memory_space<semaphore_mem>>
      %dma_start3A = arith.constant 0 : i32
      %dma_start3A_11 = tpu.memref_slice %arg6[%arg0, %mul3A_10, %dma_start3A] : memref<2x10240x128xf32, #tpu.memory_space<hbm>> -> memref<1x640x128xf32, #tpu.memory_space<hbm>>
      %dma_start3A_12 = tpu.memref_squeeze %dma_start3A_11 : memref<1x640x128xf32, #tpu.memory_space<hbm>> -> memref<640x128xf32, #tpu.memory_space<hbm>>
      %dma_start3A_13 = arith.constant 0 : i32
      %dma_start3A_14 = tpu.memref_slice %arg11[%mul3A_8, %dma_start3A_13] : memref<10240x128xf32, #tpu.memory_space<vmem_shared>> -> memref<640x128xf32, #tpu.memory_space<vmem_shared>>
      tpu.enqueue_dma source(%dma_start3A_14 : memref<640x128xf32, #tpu.memory_space<vmem_shared>>) target(%dma_start3A_12 : memref<640x128xf32, #tpu.memory_space<hbm>>) target_semaphore(%run_scoped3A : memref<!tpu.dma_semaphore, #tpu.memory_space<semaphore_mem>>)
      %dma_wait3A = arith.constant 0 : i32
      %dma_wait3A_15 = tpu.memref_slice %arg6[%arg0, %mul3A_10, %dma_wait3A] : memref<2x10240x128xf32, #tpu.memory_space<hbm>> -> memref<1x640x128xf32, #tpu.memory_space<hbm>>
      %dma_wait3A_16 = tpu.memref_squeeze %dma_wait3A_15 : memref<1x640x128xf32, #tpu.memory_space<hbm>> -> memref<640x128xf32, #tpu.memory_space<hbm>>
      %dma_wait3A_17 = arith.constant 0 : i32
      %dma_wait3A_18 = tpu.memref_slice %arg11[%mul3A_8, %dma_wait3A_17] : memref<10240x128xf32, #tpu.memory_space<vmem_shared>> -> memref<640x128xf32, #tpu.memory_space<vmem_shared>>
      tpu.wait_dma2 semaphore(%run_scoped3A : memref<!tpu.dma_semaphore, #tpu.memory_space<semaphore_mem>>) src(%dma_wait3A_18 : memref<640x128xf32, #tpu.memory_space<vmem_shared>>) dst(%dma_wait3A_16 : memref<640x128xf32, #tpu.memory_space<hbm>>)
      tpu.yield
    }) : () -> ()
    return
  }
}

#map = affine_map<(d0, d1) -> (0, 0)>
#map1 = affine_map<(d0, d1) -> (0, 0, 0, 0)>
#map2 = affine_map<(d0, d1) -> (0, 0, 0)>
module attributes {stable_mosaic.version = 14 : i64} {
  func.func @_segsum(%arg0: i32, %arg1: i32, %arg2: memref<20480x128xf32, #tpu.memory_space<hbm>>, %arg3: memref<2x16x160x128xi32, #tpu.memory_space<hbm>>, %arg4: memref<16x160x128xi32, #tpu.memory_space<hbm>>, %arg5: memref<640x128xf32, #tpu.memory_space<hbm>>, %arg6: memref<2x10240x128xf32, #tpu.memory_space<hbm>>, %arg7: memref<32x128xi32, #tpu.memory_space<vmem>>, %arg8: memref<32x128xi32, #tpu.memory_space<vmem>>, %arg9: memref<128x128xf32, #tpu.memory_space<vmem>>, %arg10: memref<128x128xf32, #tpu.memory_space<vmem>>, %arg11: memref<10240x128xf32, #tpu.memory_space<vmem_shared>>, %arg12: memref<!tpu.dma_semaphore, #tpu.memory_space<semaphore_mem>>, %arg13: memref<!tpu.dma_semaphore, #tpu.memory_space<semaphore_mem>>, %arg14: memref<!tpu.dma_semaphore, #tpu.memory_space<semaphore_mem>>, %arg15: memref<!tpu.dma_semaphore, #tpu.memory_space<semaphore_mem>>) attributes {dimension_semantics = [#tpu.dimension_semantics<core_parallel>, #tpu.dimension_semantics<subcore_parallel>], iteration_bounds = array<i64: 2, 16>, scalar_prefetch = 0 : i64, scratch_operands = 9 : i64, tpu.core_type = #tpu.core_type<sc_vector_subcore>, window_params = [{transform_indices = #map}, {transform_indices = #map1}, {transform_indices = #map2}, {transform_indices = #map}, {transform_indices = #map2}]} {
    %mul3A = arith.constant 640 : i32
    %mul3A_0 = arith.muli %arg1, %mul3A : i32
    "tpu.region"() ({
      %run_scoped3A = tpu.sem_alloc : memref<!tpu.dma_semaphore, #tpu.memory_space<semaphore_mem>>
      %dma_start3A = arith.constant 0 : i32
      %dma_start3A_11 = tpu.memref_slice %arg11[%mul3A_0, %dma_start3A] : memref<10240x128xf32, #tpu.memory_space<vmem_shared>> -> memref<640x128xf32, #tpu.memory_space<vmem_shared>>
      tpu.enqueue_dma source(%arg5 : memref<640x128xf32, #tpu.memory_space<hbm>>) target(%dma_start3A_11 : memref<640x128xf32, #tpu.memory_space<vmem_shared>>) target_semaphore(%run_scoped3A : memref<!tpu.dma_semaphore, #tpu.memory_space<semaphore_mem>>)
      %dma_wait3A = arith.constant 0 : i32
      %dma_wait3A_12 = tpu.memref_slice %arg11[%mul3A_0, %dma_wait3A] : memref<10240x128xf32, #tpu.memory_space<vmem_shared>> -> memref<640x128xf32, #tpu.memory_space<vmem_shared>>
      tpu.wait_dma2 semaphore(%run_scoped3A : memref<!tpu.dma_semaphore, #tpu.memory_space<semaphore_mem>>) src(%arg5 : memref<640x128xf32, #tpu.memory_space<hbm>>) dst(%dma_wait3A_12 : memref<640x128xf32, #tpu.memory_space<vmem_shared>>)
      tpu.yield
    }) : () -> ()
    %barrier3A = arith.constant 0 : index
    tpu.barrier barrier_id(%barrier3A)
    %scan3A = arith.constant 0 : i32
    %scan3A_1 = arith.constant 0 : i32
    %scan3A_2 = arith.constant 5 : i32
    %scan3A_3 = arith.addi %scan3A_1, %scan3A_2 : i32
    %scan3A_4 = arith.constant 1 : i32
    scf.for %scan3A_11 = %scan3A_1 to %scan3A_3 step %scan3A_4  : i32 {
      %mul3A_12 = arith.constant 32 : i32
      %mul3A_13 = arith.muli %scan3A_11, %mul3A_12 : i32
      "tpu.region"() ({
        %run_scoped3A = tpu.sem_alloc : memref<!tpu.dma_semaphore, #tpu.memory_space<semaphore_mem>>
        %dma_start3A_33 = arith.constant 0 : i32
        %dma_start3A_34 = tpu.memref_slice %arg3[%arg0, %arg1, %mul3A_13, %dma_start3A_33] : memref<2x16x160x128xi32, #tpu.memory_space<hbm>> -> memref<1x1x32x128xi32, #tpu.memory_space<hbm>>
        %dma_start3A_35 = tpu.memref_squeeze %dma_start3A_34 : memref<1x1x32x128xi32, #tpu.memory_space<hbm>> -> memref<32x128xi32, #tpu.memory_space<hbm>>
        %dma_start3A_36 = arith.constant 0 : i32
        %dma_start3A_37 = tpu.memref_slice %arg3[%arg0, %arg1, %mul3A_13, %dma_start3A_36] : memref<2x16x160x128xi32, #tpu.memory_space<hbm>> -> memref<1x1x32x128xi32, #tpu.memory_space<hbm>>
        %dma_start3A_38 = tpu.memref_squeeze %dma_start3A_37 : memref<1x1x32x128xi32, #tpu.memory_space<hbm>> -> memref<32x128xi32, #tpu.memory_space<hbm>>
        tpu.enqueue_dma source(%dma_start3A_38 : memref<32x128xi32, #tpu.memory_space<hbm>>) target(%arg7 : memref<32x128xi32, #tpu.memory_space<vmem>>) target_semaphore(%run_scoped3A : memref<!tpu.dma_semaphore, #tpu.memory_space<semaphore_mem>>)
        %dma_wait3A_39 = arith.constant 0 : i32
        %dma_wait3A_40 = tpu.memref_slice %arg3[%arg0, %arg1, %mul3A_13, %dma_wait3A_39] : memref<2x16x160x128xi32, #tpu.memory_space<hbm>> -> memref<1x1x32x128xi32, #tpu.memory_space<hbm>>
        %dma_wait3A_41 = tpu.memref_squeeze %dma_wait3A_40 : memref<1x1x32x128xi32, #tpu.memory_space<hbm>> -> memref<32x128xi32, #tpu.memory_space<hbm>>
        %dma_wait3A_42 = arith.constant 0 : i32
        %dma_wait3A_43 = tpu.memref_slice %arg3[%arg0, %arg1, %mul3A_13, %dma_wait3A_42] : memref<2x16x160x128xi32, #tpu.memory_space<hbm>> -> memref<1x1x32x128xi32, #tpu.memory_space<hbm>>
        %dma_wait3A_44 = tpu.memref_squeeze %dma_wait3A_43 : memref<1x1x32x128xi32, #tpu.memory_space<hbm>> -> memref<32x128xi32, #tpu.memory_space<hbm>>
        tpu.wait_dma2 semaphore(%run_scoped3A : memref<!tpu.dma_semaphore, #tpu.memory_space<semaphore_mem>>) src(%dma_wait3A_44 : memref<32x128xi32, #tpu.memory_space<hbm>>) dst(%arg7 : memref<32x128xi32, #tpu.memory_space<vmem>>)
        tpu.yield
      }) : () -> ()
      %mul3A_14 = arith.constant 32 : i32
      %mul3A_15 = arith.muli %scan3A_11, %mul3A_14 : i32
      "tpu.region"() ({
        %run_scoped3A = tpu.sem_alloc : memref<!tpu.dma_semaphore, #tpu.memory_space<semaphore_mem>>
        %dma_start3A_33 = arith.constant 0 : i32
        %dma_start3A_34 = tpu.memref_slice %arg4[%arg1, %mul3A_15, %dma_start3A_33] : memref<16x160x128xi32, #tpu.memory_space<hbm>> -> memref<1x32x128xi32, #tpu.memory_space<hbm>>
        %dma_start3A_35 = tpu.memref_squeeze %dma_start3A_34 : memref<1x32x128xi32, #tpu.memory_space<hbm>> -> memref<32x128xi32, #tpu.memory_space<hbm>>
        %dma_start3A_36 = arith.constant 0 : i32
        %dma_start3A_37 = tpu.memref_slice %arg4[%arg1, %mul3A_15, %dma_start3A_36] : memref<16x160x128xi32, #tpu.memory_space<hbm>> -> memref<1x32x128xi32, #tpu.memory_space<hbm>>
        %dma_start3A_38 = tpu.memref_squeeze %dma_start3A_37 : memref<1x32x128xi32, #tpu.memory_space<hbm>> -> memref<32x128xi32, #tpu.memory_space<hbm>>
        tpu.enqueue_dma source(%dma_start3A_38 : memref<32x128xi32, #tpu.memory_space<hbm>>) target(%arg8 : memref<32x128xi32, #tpu.memory_space<vmem>>) target_semaphore(%run_scoped3A : memref<!tpu.dma_semaphore, #tpu.memory_space<semaphore_mem>>)
        %dma_wait3A_39 = arith.constant 0 : i32
        %dma_wait3A_40 = tpu.memref_slice %arg4[%arg1, %mul3A_15, %dma_wait3A_39] : memref<16x160x128xi32, #tpu.memory_space<hbm>> -> memref<1x32x128xi32, #tpu.memory_space<hbm>>
        %dma_wait3A_41 = tpu.memref_squeeze %dma_wait3A_40 : memref<1x32x128xi32, #tpu.memory_space<hbm>> -> memref<32x128xi32, #tpu.memory_space<hbm>>
        %dma_wait3A_42 = arith.constant 0 : i32
        %dma_wait3A_43 = tpu.memref_slice %arg4[%arg1, %mul3A_15, %dma_wait3A_42] : memref<16x160x128xi32, #tpu.memory_space<hbm>> -> memref<1x32x128xi32, #tpu.memory_space<hbm>>
        %dma_wait3A_44 = tpu.memref_squeeze %dma_wait3A_43 : memref<1x32x128xi32, #tpu.memory_space<hbm>> -> memref<32x128xi32, #tpu.memory_space<hbm>>
        tpu.wait_dma2 semaphore(%run_scoped3A : memref<!tpu.dma_semaphore, #tpu.memory_space<semaphore_mem>>) src(%dma_wait3A_44 : memref<32x128xi32, #tpu.memory_space<hbm>>) dst(%arg8 : memref<32x128xi32, #tpu.memory_space<vmem>>)
        tpu.yield
      }) : () -> ()
      %dma_start3A = arith.constant 0 : i32
      %dma_start3A_16 = arith.constant 0 : i32
      %dma_start3A_17 = tpu.memref_slice %arg7[%dma_start3A, %dma_start3A_16] : memref<32x128xi32, #tpu.memory_space<vmem>> -> memref<1x128xi32, #tpu.memory_space<vmem>>
      %dma_start3A_18 = tpu.memref_squeeze %dma_start3A_17 : memref<1x128xi32, #tpu.memory_space<vmem>> -> memref<128xi32, #tpu.memory_space<vmem>>
      %dma_start3A_19 = arith.constant 0 : i32
      %dma_start3A_20 = arith.constant 0 : i32
      %dma_start3A_21 = tpu.memref_slice %arg2[%dma_start3A_19, %dma_start3A_20] : memref<20480x128xf32, #tpu.memory_space<hbm>> -> memref<20480x128xf32, #tpu.memory_space<hbm>>
      tpu.enqueue_indirect_dma source(%dma_start3A_21 : memref<20480x128xf32, #tpu.memory_space<hbm>>) target(%arg9 : memref<128x128xf32, #tpu.memory_space<vmem>>) offsets(%dma_start3A_18 : memref<128xi32, #tpu.memory_space<vmem>>) semaphore(%arg12 : memref<!tpu.dma_semaphore, #tpu.memory_space<semaphore_mem>>)
      %scan3A_22 = arith.constant 0 : i32
      %scan3A_23 = arith.constant 16 : i32
      %scan3A_24 = arith.addi %scan3A_22, %scan3A_23 : i32
      %scan3A_25 = arith.constant 1 : i32
      scf.for %scan3A_33 = %scan3A_22 to %scan3A_24 step %scan3A_25  : i32 {
        %mul3A_34 = arith.constant 2 : i32
        %mul3A_35 = arith.muli %mul3A_34, %scan3A_33 : i32
        %dma_wait3A_36 = arith.constant 0 : i32
        %dma_wait3A_37 = arith.constant 0 : i32
        %dma_wait3A_38 = tpu.memref_slice %arg7[%dma_wait3A_36, %dma_wait3A_37] : memref<32x128xi32, #tpu.memory_space<vmem>> -> memref<1x128xi32, #tpu.memory_space<vmem>>
        %dma_wait3A_39 = tpu.memref_squeeze %dma_wait3A_38 : memref<1x128xi32, #tpu.memory_space<vmem>> -> memref<128xi32, #tpu.memory_space<vmem>>
        %dma_wait3A_40 = arith.constant 0 : i32
        %dma_wait3A_41 = arith.constant 0 : i32
        %dma_wait3A_42 = tpu.memref_slice %arg2[%dma_wait3A_40, %dma_wait3A_41] : memref<20480x128xf32, #tpu.memory_space<hbm>> -> memref<20480x128xf32, #tpu.memory_space<hbm>>
        tpu.wait_indirect_dma semaphore(%arg12 : memref<!tpu.dma_semaphore, #tpu.memory_space<semaphore_mem>>) src(%dma_wait3A_42 : memref<20480x128xf32, #tpu.memory_space<hbm>>) dst(%arg9 : memref<128x128xf32, #tpu.memory_space<vmem>>)
        %gt3A = arith.constant 0 : i32
        %gt3A_43 = arith.cmpi sgt, %scan3A_33, %gt3A : i32
        %convert_element_type3A = arith.extui %gt3A_43 : i1 to i32
        %cond3A = arith.constant 0 : i32
        %cond3A_44 = arith.cmpi ne, %convert_element_type3A, %cond3A : i32
        scf.if %cond3A_44 {
          %dma_wait3A_84 = arith.constant 0 : i32
          %dma_wait3A_85 = arith.constant 0 : i32
          %dma_wait3A_86 = tpu.memref_slice %arg8[%dma_wait3A_84, %dma_wait3A_85] : memref<32x128xi32, #tpu.memory_space<vmem>> -> memref<1x128xi32, #tpu.memory_space<vmem>>
          %dma_wait3A_87 = tpu.memref_squeeze %dma_wait3A_86 : memref<1x128xi32, #tpu.memory_space<vmem>> -> memref<128xi32, #tpu.memory_space<vmem>>
          %dma_wait3A_88 = arith.constant 0 : i32
          %dma_wait3A_89 = arith.constant 0 : i32
          %dma_wait3A_90 = tpu.memref_slice %arg11[%dma_wait3A_88, %dma_wait3A_89] : memref<10240x128xf32, #tpu.memory_space<vmem_shared>> -> memref<10240x128xf32, #tpu.memory_space<vmem_shared>>
          tpu.wait_indirect_dma semaphore(%arg15 : memref<!tpu.dma_semaphore, #tpu.memory_space<semaphore_mem>>) src(%arg10 : memref<128x128xf32, #tpu.memory_space<vmem>>) dst(%dma_wait3A_90 : memref<10240x128xf32, #tpu.memory_space<vmem_shared>>)
        } else {
        }
        %add3A = arith.constant 1 : i32
        %add3A_45 = arith.addi %mul3A_35, %add3A : i32
        %dma_start3A_46 = arith.constant 0 : i32
        %dma_start3A_47 = tpu.memref_slice %arg7[%add3A_45, %dma_start3A_46] : memref<32x128xi32, #tpu.memory_space<vmem>> -> memref<1x128xi32, #tpu.memory_space<vmem>>
        %dma_start3A_48 = tpu.memref_squeeze %dma_start3A_47 : memref<1x128xi32, #tpu.memory_space<vmem>> -> memref<128xi32, #tpu.memory_space<vmem>>
        %dma_start3A_49 = arith.constant 0 : i32
        %dma_start3A_50 = arith.constant 0 : i32
        %dma_start3A_51 = tpu.memref_slice %arg2[%dma_start3A_49, %dma_start3A_50] : memref<20480x128xf32, #tpu.memory_space<hbm>> -> memref<20480x128xf32, #tpu.memory_space<hbm>>
        tpu.enqueue_indirect_dma source(%dma_start3A_51 : memref<20480x128xf32, #tpu.memory_space<hbm>>) target(%arg10 : memref<128x128xf32, #tpu.memory_space<vmem>>) offsets(%dma_start3A_48 : memref<128xi32, #tpu.memory_space<vmem>>) semaphore(%arg13 : memref<!tpu.dma_semaphore, #tpu.memory_space<semaphore_mem>>)
        %dma_start3A_52 = arith.constant 0 : i32
        %dma_start3A_53 = tpu.memref_slice %arg8[%mul3A_35, %dma_start3A_52] : memref<32x128xi32, #tpu.memory_space<vmem>> -> memref<1x128xi32, #tpu.memory_space<vmem>>
        %dma_start3A_54 = tpu.memref_squeeze %dma_start3A_53 : memref<1x128xi32, #tpu.memory_space<vmem>> -> memref<128xi32, #tpu.memory_space<vmem>>
        %dma_start3A_55 = arith.constant 0 : i32
        %dma_start3A_56 = arith.constant 0 : i32
        %dma_start3A_57 = tpu.memref_slice %arg11[%dma_start3A_55, %dma_start3A_56] : memref<10240x128xf32, #tpu.memory_space<vmem_shared>> -> memref<10240x128xf32, #tpu.memory_space<vmem_shared>>
        tpu.enqueue_indirect_dma source(%arg9 : memref<128x128xf32, #tpu.memory_space<vmem>>) target(%dma_start3A_57 : memref<10240x128xf32, #tpu.memory_space<vmem_shared>>) offsets(%dma_start3A_54 : memref<128xi32, #tpu.memory_space<vmem>>) semaphore(%arg14 : memref<!tpu.dma_semaphore, #tpu.memory_space<semaphore_mem>>) {add = true}
        %dma_wait3A_58 = arith.constant 0 : i32
        %dma_wait3A_59 = arith.constant 0 : i32
        %dma_wait3A_60 = tpu.memref_slice %arg7[%dma_wait3A_58, %dma_wait3A_59] : memref<32x128xi32, #tpu.memory_space<vmem>> -> memref<1x128xi32, #tpu.memory_space<vmem>>
        %dma_wait3A_61 = tpu.memref_squeeze %dma_wait3A_60 : memref<1x128xi32, #tpu.memory_space<vmem>> -> memref<128xi32, #tpu.memory_space<vmem>>
        %dma_wait3A_62 = arith.constant 0 : i32
        %dma_wait3A_63 = arith.constant 0 : i32
        %dma_wait3A_64 = tpu.memref_slice %arg2[%dma_wait3A_62, %dma_wait3A_63] : memref<20480x128xf32, #tpu.memory_space<hbm>> -> memref<20480x128xf32, #tpu.memory_space<hbm>>
        tpu.wait_indirect_dma semaphore(%arg13 : memref<!tpu.dma_semaphore, #tpu.memory_space<semaphore_mem>>) src(%dma_wait3A_64 : memref<20480x128xf32, #tpu.memory_space<hbm>>) dst(%arg10 : memref<128x128xf32, #tpu.memory_space<vmem>>)
        %dma_wait3A_65 = arith.constant 0 : i32
        %dma_wait3A_66 = arith.constant 0 : i32
        %dma_wait3A_67 = tpu.memref_slice %arg8[%dma_wait3A_65, %dma_wait3A_66] : memref<32x128xi32, #tpu.memory_space<vmem>> -> memref<1x128xi32, #tpu.memory_space<vmem>>
        %dma_wait3A_68 = tpu.memref_squeeze %dma_wait3A_67 : memref<1x128xi32, #tpu.memory_space<vmem>> -> memref<128xi32, #tpu.memory_space<vmem>>
        %dma_wait3A_69 = arith.constant 0 : i32
        %dma_wait3A_70 = arith.constant 0 : i32
        %dma_wait3A_71 = tpu.memref_slice %arg11[%dma_wait3A_69, %dma_wait3A_70] : memref<10240x128xf32, #tpu.memory_space<vmem_shared>> -> memref<10240x128xf32, #tpu.memory_space<vmem_shared>>
        tpu.wait_indirect_dma semaphore(%arg14 : memref<!tpu.dma_semaphore, #tpu.memory_space<semaphore_mem>>) src(%arg9 : memref<128x128xf32, #tpu.memory_space<vmem>>) dst(%dma_wait3A_71 : memref<10240x128xf32, #tpu.memory_space<vmem_shared>>)
        %lt3A = arith.constant 15 : i32
        %lt3A_72 = arith.cmpi slt, %scan3A_33, %lt3A : i32
        %convert_element_type3A_73 = arith.extui %lt3A_72 : i1 to i32
        %cond3A_74 = arith.constant 0 : i32
        %cond3A_75 = arith.cmpi ne, %convert_element_type3A_73, %cond3A_74 : i32
        scf.if %cond3A_75 {
          %add3A_84 = arith.constant 2 : i32
          %add3A_85 = arith.addi %mul3A_35, %add3A_84 : i32
          %dma_start3A_86 = arith.constant 0 : i32
          %dma_start3A_87 = tpu.memref_slice %arg7[%add3A_85, %dma_start3A_86] : memref<32x128xi32, #tpu.memory_space<vmem>> -> memref<1x128xi32, #tpu.memory_space<vmem>>
          %dma_start3A_88 = tpu.memref_squeeze %dma_start3A_87 : memref<1x128xi32, #tpu.memory_space<vmem>> -> memref<128xi32, #tpu.memory_space<vmem>>
          %dma_start3A_89 = arith.constant 0 : i32
          %dma_start3A_90 = arith.constant 0 : i32
          %dma_start3A_91 = tpu.memref_slice %arg2[%dma_start3A_89, %dma_start3A_90] : memref<20480x128xf32, #tpu.memory_space<hbm>> -> memref<20480x128xf32, #tpu.memory_space<hbm>>
          tpu.enqueue_indirect_dma source(%dma_start3A_91 : memref<20480x128xf32, #tpu.memory_space<hbm>>) target(%arg9 : memref<128x128xf32, #tpu.memory_space<vmem>>) offsets(%dma_start3A_88 : memref<128xi32, #tpu.memory_space<vmem>>) semaphore(%arg12 : memref<!tpu.dma_semaphore, #tpu.memory_space<semaphore_mem>>)
        } else {
        }
        %add3A_76 = arith.constant 1 : i32
        %add3A_77 = arith.addi %mul3A_35, %add3A_76 : i32
        %dma_start3A_78 = arith.constant 0 : i32
        %dma_start3A_79 = tpu.memref_slice %arg8[%add3A_77, %dma_start3A_78] : memref<32x128xi32, #tpu.memory_space<vmem>> -> memref<1x128xi32, #tpu.memory_space<vmem>>
        %dma_start3A_80 = tpu.memref_squeeze %dma_start3A_79 : memref<1x128xi32, #tpu.memory_space<vmem>> -> memref<128xi32, #tpu.memory_space<vmem>>
        %dma_start3A_81 = arith.constant 0 : i32
        %dma_start3A_82 = arith.constant 0 : i32
        %dma_start3A_83 = tpu.memref_slice %arg11[%dma_start3A_81, %dma_start3A_82] : memref<10240x128xf32, #tpu.memory_space<vmem_shared>> -> memref<10240x128xf32, #tpu.memory_space<vmem_shared>>
        tpu.enqueue_indirect_dma source(%arg10 : memref<128x128xf32, #tpu.memory_space<vmem>>) target(%dma_start3A_83 : memref<10240x128xf32, #tpu.memory_space<vmem_shared>>) offsets(%dma_start3A_80 : memref<128xi32, #tpu.memory_space<vmem>>) semaphore(%arg15 : memref<!tpu.dma_semaphore, #tpu.memory_space<semaphore_mem>>) {add = true}
      }
      %scan3A_26 = arith.constant 16 : i32
      %dma_wait3A = arith.constant 0 : i32
      %dma_wait3A_27 = arith.constant 0 : i32
      %dma_wait3A_28 = tpu.memref_slice %arg8[%dma_wait3A, %dma_wait3A_27] : memref<32x128xi32, #tpu.memory_space<vmem>> -> memref<1x128xi32, #tpu.memory_space<vmem>>
      %dma_wait3A_29 = tpu.memref_squeeze %dma_wait3A_28 : memref<1x128xi32, #tpu.memory_space<vmem>> -> memref<128xi32, #tpu.memory_space<vmem>>
      %dma_wait3A_30 = arith.constant 0 : i32
      %dma_wait3A_31 = arith.constant 0 : i32
      %dma_wait3A_32 = tpu.memref_slice %arg11[%dma_wait3A_30, %dma_wait3A_31] : memref<10240x128xf32, #tpu.memory_space<vmem_shared>> -> memref<10240x128xf32, #tpu.memory_space<vmem_shared>>
      tpu.wait_indirect_dma semaphore(%arg15 : memref<!tpu.dma_semaphore, #tpu.memory_space<semaphore_mem>>) src(%arg10 : memref<128x128xf32, #tpu.memory_space<vmem>>) dst(%dma_wait3A_32 : memref<10240x128xf32, #tpu.memory_space<vmem_shared>>)
    }
    %scan3A_5 = arith.constant 5 : i32
    %barrier3A_6 = arith.constant 0 : index
    tpu.barrier barrier_id(%barrier3A_6)
    %mul3A_7 = arith.constant 640 : i32
    %mul3A_8 = arith.muli %arg1, %mul3A_7 : i32
    %mul3A_9 = arith.constant 640 : i32
    %mul3A_10 = arith.muli %arg1, %mul3A_9 : i32
    "tpu.region"() ({
      %run_scoped3A = tpu.sem_alloc : memref<!tpu.dma_semaphore, #tpu.memory_space<semaphore_mem>>
      %dma_start3A = arith.constant 0 : i32
      %dma_start3A_11 = tpu.memref_slice %arg6[%arg0, %mul3A_10, %dma_start3A] : memref<2x10240x128xf32, #tpu.memory_space<hbm>> -> memref<1x640x128xf32, #tpu.memory_space<hbm>>
      %dma_start3A_12 = tpu.memref_squeeze %dma_start3A_11 : memref<1x640x128xf32, #tpu.memory_space<hbm>> -> memref<640x128xf32, #tpu.memory_space<hbm>>
      %dma_start3A_13 = arith.constant 0 : i32
      %dma_start3A_14 = tpu.memref_slice %arg11[%mul3A_8, %dma_start3A_13] : memref<10240x128xf32, #tpu.memory_space<vmem_shared>> -> memref<640x128xf32, #tpu.memory_space<vmem_shared>>
      tpu.enqueue_dma source(%dma_start3A_14 : memref<640x128xf32, #tpu.memory_space<vmem_shared>>) target(%dma_start3A_12 : memref<640x128xf32, #tpu.memory_space<hbm>>) target_semaphore(%run_scoped3A : memref<!tpu.dma_semaphore, #tpu.memory_space<semaphore_mem>>)
      %dma_wait3A = arith.constant 0 : i32
      %dma_wait3A_15 = tpu.memref_slice %arg6[%arg0, %mul3A_10, %dma_wait3A] : memref<2x10240x128xf32, #tpu.memory_space<hbm>> -> memref<1x640x128xf32, #tpu.memory_space<hbm>>
      %dma_wait3A_16 = tpu.memref_squeeze %dma_wait3A_15 : memref<1x640x128xf32, #tpu.memory_space<hbm>> -> memref<640x128xf32, #tpu.memory_space<hbm>>
      %dma_wait3A_17 = arith.constant 0 : i32
      %dma_wait3A_18 = tpu.memref_slice %arg11[%mul3A_8, %dma_wait3A_17] : memref<10240x128xf32, #tpu.memory_space<vmem_shared>> -> memref<640x128xf32, #tpu.memory_space<vmem_shared>>
      tpu.wait_dma2 semaphore(%run_scoped3A : memref<!tpu.dma_semaphore, #tpu.memory_space<semaphore_mem>>) src(%dma_wait3A_18 : memref<640x128xf32, #tpu.memory_space<vmem_shared>>) dst(%dma_wait3A_16 : memref<640x128xf32, #tpu.memory_space<hbm>>)
      tpu.yield
    }) : () -> ()
    return
  }
}

module attributes {stable_mosaic.version = 14 : i64} {
  func.func @_proj_body(%arg0: i32, %arg1: i32, %arg2: memref<512x128xf32, #tpu.memory_space<vmem>>, %arg3: memref<128x128xf32, #tpu.memory_space<vmem>>, %arg4: memref<1x512x128xf32, #tpu.memory_space<vmem>>) attributes {dimension_semantics = [#tpu.dimension_semantics<arbitrary>, #tpu.dimension_semantics<arbitrary>], iteration_bounds = array<i64: 2, 20>, scalar_prefetch = 0 : i64, scratch_operands = 0 : i64, tpu.core_type = #tpu.core_type<tc>, window_params = [{transform_indices = @transform_0, window_bounds = array<i64: 512, 128>}, {transform_indices = @transform_1, window_bounds = array<i64: 128, 128>}, {transform_indices = @transform_2, window_bounds = array<i64: 1, 512, 128>}]} {
    %get3A = arith.constant 0 : index
    %get3A_0 = arith.constant 0 : index
    %get3A_1 = vector.load %arg2[%get3A, %get3A_0] : memref<512x128xf32, #tpu.memory_space<vmem>>, vector<512x128xf32>
    %get3A_2 = arith.constant 0 : index
    %get3A_3 = arith.constant 0 : index
    %get3A_4 = vector.load %arg3[%get3A_2, %get3A_3] : memref<128x128xf32, #tpu.memory_space<vmem>>, vector<128x128xf32>
    %dot_general3A = arith.constant dense<0.000000e+00> : vector<512x128xf32>
    %dot_general3A_5 = tpu.matmul %get3A_1, %get3A_4, %dot_general3A {dimension_numbers = #tpu.dot_dimension_numbers<[1], [0], [0], [1], [0, 0, 1, 1], [], []>, transpose_lhs_hint = false} : vector<512x128xf32>, vector<128x128xf32>, vector<512x128xf32> -> vector<512x128xf32>
    %swap3A = arith.constant 0 : index
    %swap3A_6 = arith.constant 0 : index
    %swap3A_7 = arith.constant 0 : index
    %swap3A_8 = vector.load %arg4[%swap3A, %swap3A_6, %swap3A_7] : memref<1x512x128xf32, #tpu.memory_space<vmem>>, vector<1x512x128xf32>
    %swap3A_9 = vector.shape_cast %swap3A_8 : vector<1x512x128xf32> to vector<512x128xf32>
    %swap3A_10 = vector.shape_cast %dot_general3A_5 : vector<512x128xf32> to vector<1x512x128xf32>
    tpu.vector_store %arg4[%swap3A, %swap3A_6, %swap3A_7], %swap3A_10 {strides = array<i32>} : memref<1x512x128xf32, #tpu.memory_space<vmem>>, vector<1x512x128xf32>,
    return
  }
  func.func @transform_0(%arg0: i32, %arg1: i32) -> (i32, i32) {
    %c0_i32 = arith.constant 0 : i32
    %c0_i32_0 = arith.constant 0 : i32
    return %arg1, %c0_i32 : i32, i32
  }
  func.func @transform_1(%arg0: i32, %arg1: i32) -> (i32, i32) {
    %c0_i32 = arith.constant 0 : i32
    %c0_i32_0 = arith.constant 0 : i32
    return %c0_i32, %arg0 : i32, i32
  }
  func.func @transform_2(%arg0: i32, %arg1: i32) -> (i32, i32, i32) {
    %c0_i32 = arith.constant 0 : i32
    %c0_i32_0 = arith.constant 0 : i32
    return %arg0, %arg1, %c0_i32 : i32, i32, i32
  }
}

module attributes {stable_mosaic.version = 14 : i64} {
  func.func @_gin0_body(%arg0: i32, %arg1: memref<2x512x128xf32, #tpu.memory_space<vmem>>, %arg2: memref<2x512x128xf32, #tpu.memory_space<vmem>>, %arg3: memref<256x256xf32, #tpu.memory_space<vmem>>, %arg4: memref<128x256xf32, #tpu.memory_space<vmem>>, %arg5: memref<1x256xf32, #tpu.memory_space<vmem>>, %arg6: memref<256x256xf32, #tpu.memory_space<vmem>>, %arg7: memref<1x256xf32, #tpu.memory_space<vmem>>, %arg8: memref<2x512x128xf32, #tpu.memory_space<vmem>>) attributes {dimension_semantics = [#tpu.dimension_semantics<arbitrary>], iteration_bounds = array<i64: 20>, scalar_prefetch = 0 : i64, scratch_operands = 0 : i64, tpu.core_type = #tpu.core_type<tc>, window_params = [{transform_indices = @transform_0, window_bounds = array<i64: 2, 512, 128>}, {transform_indices = @transform_1, window_bounds = array<i64: 2, 512, 128>}, {pipeline_mode = #tpu.pipeline_mode<synchronous>, transform_indices = @transform_2, window_bounds = array<i64: 256, 256>}, {pipeline_mode = #tpu.pipeline_mode<synchronous>, transform_indices = @transform_3, window_bounds = array<i64: 128, 256>}, {pipeline_mode = #tpu.pipeline_mode<synchronous>, transform_indices = @transform_4, window_bounds = array<i64: 1, 256>}, {pipeline_mode = #tpu.pipeline_mode<synchronous>, transform_indices = @transform_5, window_bounds = array<i64: 256, 256>}, {pipeline_mode = #tpu.pipeline_mode<synchronous>, transform_indices = @transform_6, window_bounds = array<i64: 1, 256>}, {transform_indices = @transform_7, window_bounds = array<i64: 2, 512, 128>}]} {
    %get3A = arith.constant 0 : index
    %get3A_0 = arith.constant 0 : index
    %get3A_1 = arith.constant 0 : index
    %get3A_2 = vector.load %arg1[%get3A, %get3A_0, %get3A_1] : memref<2x512x128xf32, #tpu.memory_space<vmem>>, vector<1x512x128xf32>
    %get3A_3 = vector.shape_cast %get3A_2 : vector<1x512x128xf32> to vector<512x128xf32>
    %get3A_4 = arith.constant 1 : index
    %get3A_5 = arith.constant 0 : index
    %get3A_6 = arith.constant 0 : index
    %get3A_7 = vector.load %arg1[%get3A_4, %get3A_5, %get3A_6] : memref<2x512x128xf32, #tpu.memory_space<vmem>>, vector<1x512x128xf32>
    %get3A_8 = vector.shape_cast %get3A_7 : vector<1x512x128xf32> to vector<512x128xf32>
    %concatenate3A = tpu.concatenate %get3A_3, %get3A_8 in 1 : vector<512x128xf32>, vector<512x128xf32> -> vector<512x256xf32>
    %get3A_9 = arith.constant 0 : index
    %get3A_10 = arith.constant 0 : index
    %get3A_11 = arith.constant 0 : index
    %get3A_12 = vector.load %arg2[%get3A_9, %get3A_10, %get3A_11] : memref<2x512x128xf32, #tpu.memory_space<vmem>>, vector<1x512x128xf32>
    %get3A_13 = vector.shape_cast %get3A_12 : vector<1x512x128xf32> to vector<512x128xf32>
    %get3A_14 = arith.constant 1 : index
    %get3A_15 = arith.constant 0 : index
    %get3A_16 = arith.constant 0 : index
    %get3A_17 = vector.load %arg2[%get3A_14, %get3A_15, %get3A_16] : memref<2x512x128xf32, #tpu.memory_space<vmem>>, vector<1x512x128xf32>
    %get3A_18 = vector.shape_cast %get3A_17 : vector<1x512x128xf32> to vector<512x128xf32>
    %add3A = arith.addf %get3A_13, %get3A_18 : vector<512x128xf32>
    %get3A_19 = arith.constant 0 : index
    %get3A_20 = arith.constant 0 : index
    %get3A_21 = vector.load %arg3[%get3A_19, %get3A_20] : memref<256x256xf32, #tpu.memory_space<vmem>>, vector<256x256xf32>
    %dot_general3A = arith.constant dense<0.000000e+00> : vector<512x256xf32>
    %dot_general3A_22 = tpu.matmul %concatenate3A, %get3A_21, %dot_general3A {dimension_numbers = #tpu.dot_dimension_numbers<[1], [0], [0], [1], [0, 0, 1, 1], [], []>, transpose_lhs_hint = false} : vector<512x256xf32>, vector<256x256xf32>, vector<512x256xf32> -> vector<512x256xf32>
    %get3A_23 = arith.constant 0 : index
    %get3A_24 = arith.constant 0 : index
    %get3A_25 = vector.load %arg4[%get3A_23, %get3A_24] : memref<128x256xf32, #tpu.memory_space<vmem>>, vector<128x256xf32>
    %dot_general3A_26 = arith.constant dense<0.000000e+00> : vector<512x256xf32>
    %dot_general3A_27 = tpu.matmul %add3A, %get3A_25, %dot_general3A_26 {dimension_numbers = #tpu.dot_dimension_numbers<[1], [0], [0], [1], [0, 0, 1, 1], [], []>, transpose_lhs_hint = false} : vector<512x128xf32>, vector<128x256xf32>, vector<512x256xf32> -> vector<512x256xf32>
    %add3A_28 = arith.addf %dot_general3A_22, %dot_general3A_27 : vector<512x256xf32>
    %get3A_29 = arith.constant 0 : index
    %get3A_30 = arith.constant 0 : index
    %get3A_31 = vector.load %arg5[%get3A_29, %get3A_30] : memref<1x256xf32, #tpu.memory_space<vmem>>, vector<1x256xf32>
    %add3A_32 = vector.broadcast %get3A_31 : vector<1x256xf32> to vector<512x256xf32>
    %add3A_33 = arith.addf %add3A_28, %add3A_32 : vector<512x256xf32>
    %max3A = arith.constant 0.000000e+00 : f32
    %max3A_34 = vector.broadcast %max3A : f32 to vector<512x256xf32>
    %max3A_35 = arith.maximumf %add3A_33, %max3A_34 : vector<512x256xf32>
    %get3A_36 = arith.constant 0 : index
    %get3A_37 = arith.constant 0 : index
    %get3A_38 = vector.load %arg6[%get3A_36, %get3A_37] : memref<256x256xf32, #tpu.memory_space<vmem>>, vector<256x256xf32>
    %dot_general3A_39 = arith.constant dense<0.000000e+00> : vector<512x256xf32>
    %dot_general3A_40 = tpu.matmul %max3A_35, %get3A_38, %dot_general3A_39 {dimension_numbers = #tpu.dot_dimension_numbers<[1], [0], [0], [1], [0, 0, 1, 1], [], []>, transpose_lhs_hint = false} : vector<512x256xf32>, vector<256x256xf32>, vector<512x256xf32> -> vector<512x256xf32>
    %get3A_41 = arith.constant 0 : index
    %get3A_42 = arith.constant 0 : index
    %get3A_43 = vector.load %arg7[%get3A_41, %get3A_42] : memref<1x256xf32, #tpu.memory_space<vmem>>, vector<1x256xf32>
    %add3A_44 = vector.broadcast %get3A_43 : vector<1x256xf32> to vector<512x256xf32>
    %add3A_45 = arith.addf %dot_general3A_40, %add3A_44 : vector<512x256xf32>
    %slice3A = vector.extract_strided_slice %add3A_45 {offsets = [0, 0], sizes = [512, 128], strides = [1, 1]} : vector<512x256xf32> to vector<512x128xf32>
    %swap3A = arith.constant 0 : index
    %swap3A_46 = arith.constant 0 : index
    %swap3A_47 = arith.constant 0 : index
    %swap3A_48 = vector.load %arg8[%swap3A, %swap3A_46, %swap3A_47] : memref<2x512x128xf32, #tpu.memory_space<vmem>>, vector<1x512x128xf32>
    %swap3A_49 = vector.shape_cast %swap3A_48 : vector<1x512x128xf32> to vector<512x128xf32>
    %swap3A_50 = vector.shape_cast %slice3A : vector<512x128xf32> to vector<1x512x128xf32>
    tpu.vector_store %arg8[%swap3A, %swap3A_46, %swap3A_47], %swap3A_50 {strides = array<i32>} : memref<2x512x128xf32, #tpu.memory_space<vmem>>, vector<1x512x128xf32>,
    %slice3A_51 = vector.extract_strided_slice %add3A_45 {offsets = [0, 128], sizes = [512, 128], strides = [1, 1]} : vector<512x256xf32> to vector<512x128xf32>
    %swap3A_52 = arith.constant 1 : index
    %swap3A_53 = arith.constant 0 : index
    %swap3A_54 = arith.constant 0 : index
    %swap3A_55 = vector.load %arg8[%swap3A_52, %swap3A_53, %swap3A_54] : memref<2x512x128xf32, #tpu.memory_space<vmem>>, vector<1x512x128xf32>
    %swap3A_56 = vector.shape_cast %swap3A_55 : vector<1x512x128xf32> to vector<512x128xf32>
    %swap3A_57 = vector.shape_cast %slice3A_51 : vector<512x128xf32> to vector<1x512x128xf32>
    tpu.vector_store %arg8[%swap3A_52, %swap3A_53, %swap3A_54], %swap3A_57 {strides = array<i32>} : memref<2x512x128xf32, #tpu.memory_space<vmem>>, vector<1x512x128xf32>,
    return
  }
  func.func @transform_0(%arg0: i32) -> (i32, i32, i32) {
    %c0_i32 = arith.constant 0 : i32
    %c0_i32_0 = arith.constant 0 : i32
    %c0_i32_1 = arith.constant 0 : i32
    return %c0_i32, %arg0, %c0_i32_0 : i32, i32, i32
  }
  func.func @transform_1(%arg0: i32) -> (i32, i32, i32) {
    %c0_i32 = arith.constant 0 : i32
    %c0_i32_0 = arith.constant 0 : i32
    %c0_i32_1 = arith.constant 0 : i32
    return %c0_i32, %arg0, %c0_i32_0 : i32, i32, i32
  }
  func.func @transform_2(%arg0: i32) -> (i32, i32) {
    %c0_i32 = arith.constant 0 : i32
    %c0_i32_0 = arith.constant 0 : i32
    %c0_i32_1 = arith.constant 0 : i32
    return %c0_i32, %c0_i32_0 : i32, i32
  }
  func.func @transform_3(%arg0: i32) -> (i32, i32) {
    %c0_i32 = arith.constant 0 : i32
    %c0_i32_0 = arith.constant 0 : i32
    %c0_i32_1 = arith.constant 0 : i32
    return %c0_i32, %c0_i32_0 : i32, i32
  }
  func.func @transform_4(%arg0: i32) -> (i32, i32) {
    %c0_i32 = arith.constant 0 : i32
    %c0_i32_0 = arith.constant 0 : i32
    %c0_i32_1 = arith.constant 0 : i32
    return %c0_i32, %c0_i32_0 : i32, i32
  }
  func.func @transform_5(%arg0: i32) -> (i32, i32) {
    %c0_i32 = arith.constant 0 : i32
    %c0_i32_0 = arith.constant 0 : i32
    %c0_i32_1 = arith.constant 0 : i32
    return %c0_i32, %c0_i32_0 : i32, i32
  }
  func.func @transform_6(%arg0: i32) -> (i32, i32) {
    %c0_i32 = arith.constant 0 : i32
    %c0_i32_0 = arith.constant 0 : i32
    %c0_i32_1 = arith.constant 0 : i32
    return %c0_i32, %c0_i32_0 : i32, i32
  }
  func.func @transform_7(%arg0: i32) -> (i32, i32, i32) {
    %c0_i32 = arith.constant 0 : i32
    %c0_i32_0 = arith.constant 0 : i32
    %c0_i32_1 = arith.constant 0 : i32
    return %c0_i32, %arg0, %c0_i32_0 : i32, i32, i32
  }
}

module attributes {stable_mosaic.version = 14 : i64} {
  func.func @_readout_body(%arg0: i32, %arg1: memref<2x512x128xf32, #tpu.memory_space<vmem>>, %arg2: memref<2x512x128xf32, #tpu.memory_space<vmem>>, %arg3: memref<256x256xf32, #tpu.memory_space<vmem>>, %arg4: memref<1x256xf32, #tpu.memory_space<vmem>>, %arg5: memref<256x256xf32, #tpu.memory_space<vmem>>, %arg6: memref<1x256xf32, #tpu.memory_space<vmem>>, %arg7: memref<256x128xf32, #tpu.memory_space<vmem>>, %arg8: memref<1x128xf32, #tpu.memory_space<vmem>>, %arg9: memref<1x128xf32, #tpu.memory_space<vmem>>, %arg10: memref<1x256xf32, #tpu.memory_space<vmem>>) attributes {dimension_semantics = [#tpu.dimension_semantics<arbitrary>], iteration_bounds = array<i64: 20>, scalar_prefetch = 0 : i64, scratch_operands = 1 : i64, tpu.core_type = #tpu.core_type<tc>, window_params = [{transform_indices = @transform_0, window_bounds = array<i64: 2, 512, 128>}, {transform_indices = @transform_1, window_bounds = array<i64: 2, 512, 128>}, {pipeline_mode = #tpu.pipeline_mode<synchronous>, transform_indices = @transform_2, window_bounds = array<i64: 256, 256>}, {pipeline_mode = #tpu.pipeline_mode<synchronous>, transform_indices = @transform_3, window_bounds = array<i64: 1, 256>}, {pipeline_mode = #tpu.pipeline_mode<synchronous>, transform_indices = @transform_4, window_bounds = array<i64: 256, 256>}, {pipeline_mode = #tpu.pipeline_mode<synchronous>, transform_indices = @transform_5, window_bounds = array<i64: 1, 256>}, {pipeline_mode = #tpu.pipeline_mode<synchronous>, transform_indices = @transform_6, window_bounds = array<i64: 256, 128>}, {pipeline_mode = #tpu.pipeline_mode<synchronous>, transform_indices = @transform_7, window_bounds = array<i64: 1, 128>}, {pipeline_mode = #tpu.pipeline_mode<synchronous>, transform_indices = @transform_8, window_bounds = array<i64: 1, 128>}]} {
    %get3A = arith.constant 0 : index
    %get3A_0 = arith.constant 0 : index
    %get3A_1 = arith.constant 0 : index
    %get3A_2 = vector.load %arg1[%get3A, %get3A_0, %get3A_1] : memref<2x512x128xf32, #tpu.memory_space<vmem>>, vector<1x512x128xf32>
    %get3A_3 = vector.shape_cast %get3A_2 : vector<1x512x128xf32> to vector<512x128xf32>
    %get3A_4 = arith.constant 0 : index
    %get3A_5 = arith.constant 0 : index
    %get3A_6 = arith.constant 0 : index
    %get3A_7 = vector.load %arg2[%get3A_4, %get3A_5, %get3A_6] : memref<2x512x128xf32, #tpu.memory_space<vmem>>, vector<1x512x128xf32>
    %get3A_8 = vector.shape_cast %get3A_7 : vector<1x512x128xf32> to vector<512x128xf32>
    %add3A = arith.addf %get3A_3, %get3A_8 : vector<512x128xf32>
    %get3A_9 = arith.constant 1 : index
    %get3A_10 = arith.constant 0 : index
    %get3A_11 = arith.constant 0 : index
    %get3A_12 = vector.load %arg1[%get3A_9, %get3A_10, %get3A_11] : memref<2x512x128xf32, #tpu.memory_space<vmem>>, vector<1x512x128xf32>
    %get3A_13 = vector.shape_cast %get3A_12 : vector<1x512x128xf32> to vector<512x128xf32>
    %get3A_14 = arith.constant 1 : index
    %get3A_15 = arith.constant 0 : index
    %get3A_16 = arith.constant 0 : index
    %get3A_17 = vector.load %arg2[%get3A_14, %get3A_15, %get3A_16] : memref<2x512x128xf32, #tpu.memory_space<vmem>>, vector<1x512x128xf32>
    %get3A_18 = vector.shape_cast %get3A_17 : vector<1x512x128xf32> to vector<512x128xf32>
    %add3A_19 = arith.addf %get3A_13, %get3A_18 : vector<512x128xf32>
    %concatenate3A = tpu.concatenate %add3A, %add3A_19 in 1 : vector<512x128xf32>, vector<512x128xf32> -> vector<512x256xf32>
    %get3A_20 = arith.constant 0 : index
    %get3A_21 = arith.constant 0 : index
    %get3A_22 = vector.load %arg3[%get3A_20, %get3A_21] : memref<256x256xf32, #tpu.memory_space<vmem>>, vector<256x256xf32>
    %dot_general3A = arith.constant dense<0.000000e+00> : vector<512x256xf32>
    %dot_general3A_23 = tpu.matmul %concatenate3A, %get3A_22, %dot_general3A {dimension_numbers = #tpu.dot_dimension_numbers<[1], [0], [0], [1], [0, 0, 1, 1], [], []>, transpose_lhs_hint = false} : vector<512x256xf32>, vector<256x256xf32>, vector<512x256xf32> -> vector<512x256xf32>
    %get3A_24 = arith.constant 0 : index
    %get3A_25 = arith.constant 0 : index
    %get3A_26 = vector.load %arg4[%get3A_24, %get3A_25] : memref<1x256xf32, #tpu.memory_space<vmem>>, vector<1x256xf32>
    %add3A_27 = vector.broadcast %get3A_26 : vector<1x256xf32> to vector<512x256xf32>
    %add3A_28 = arith.addf %dot_general3A_23, %add3A_27 : vector<512x256xf32>
    %max3A = arith.constant 0.000000e+00 : f32
    %max3A_29 = vector.broadcast %max3A : f32 to vector<512x256xf32>
    %max3A_30 = arith.maximumf %add3A_28, %max3A_29 : vector<512x256xf32>
    %iota3A = tpu.iota {dimensions = array<i32: 0>} : vector<512x1xi32>
    %mul3A = arith.constant 512 : i32
    %mul3A_31 = arith.muli %arg0, %mul3A : i32
    %add3A_32 = vector.broadcast %mul3A_31 : i32 to vector<512x1xi32>
    %add3A_33 = arith.addi %iota3A, %add3A_32 : vector<512x1xi32>
    %lt3A = arith.constant 10000 : i32
    %lt3A_34 = vector.broadcast %lt3A : i32 to vector<512x1xi32>
    %lt3A_35 = arith.cmpi slt, %add3A_33, %lt3A_34 : vector<512x1xi32>
    %jit3A = arith.constant 0.000000e+00 : f32
    %broadcast_in_dim3A = vector.shape_cast %lt3A_35 : vector<512x1xi1> to vector<512x1xi1>
    %broadcast_in_dim3A_36 = vector.broadcast %broadcast_in_dim3A : vector<512x1xi1> to vector<512x256xi1>
    %broadcast_in_dim3A_37 = vector.broadcast %jit3A : f32 to vector<512x256xf32>
    %select_n3A = arith.select %broadcast_in_dim3A_36, %max3A_30, %broadcast_in_dim3A_37 : vector<512x256xi1>, vector<512x256xf32>
    %reduce_sum3A = arith.constant dense<0.000000e+00> : vector<256xf32>
    %reduce_sum3A_38 = vector.multi_reduction <add>, %select_n3A, %reduce_sum3A [0] : vector<512x256xf32> to vector<256xf32>
    %broadcast_in_dim3A_39 = vector.shape_cast %reduce_sum3A_38 : vector<256xf32> to vector<1x256xf32>
    %eq3A = arith.constant 0 : i32
    %eq3A_40 = arith.cmpi eq, %arg0, %eq3A : i32
    %convert_element_type3A = arith.extui %eq3A_40 : i1 to i32
    %cond3A = arith.constant 0 : i32
    %cond3A_41 = arith.cmpi ne, %convert_element_type3A, %cond3A : i32
    scf.if %cond3A_41 {
      %broadcast_in_dim3A_53 = arith.constant 0.000000e+00 : f32
      %broadcast_in_dim3A_54 = vector.broadcast %broadcast_in_dim3A_53 : f32 to vector<1x256xf32>
      %swap3A_55 = arith.constant 0 : index
      %swap3A_56 = arith.constant 0 : index
      %swap3A_57 = vector.load %arg10[%swap3A_55, %swap3A_56] : memref<1x256xf32, #tpu.memory_space<vmem>>, vector<1x256xf32>
      tpu.vector_store %arg10[%swap3A_55, %swap3A_56], %broadcast_in_dim3A_54 {strides = array<i32>} : memref<1x256xf32, #tpu.memory_space<vmem>>, vector<1x256xf32>,
    } else {
    }
    %get3A_42 = arith.constant 0 : index
    %get3A_43 = arith.constant 0 : index
    %get3A_44 = vector.load %arg10[%get3A_42, %get3A_43] : memref<1x256xf32, #tpu.memory_space<vmem>>, vector<1x256xf32>
    %add3A_45 = arith.addf %get3A_44, %broadcast_in_dim3A_39 : vector<1x256xf32>
    %swap3A = arith.constant 0 : index
    %swap3A_46 = arith.constant 0 : index
    %swap3A_47 = vector.load %arg10[%swap3A, %swap3A_46] : memref<1x256xf32, #tpu.memory_space<vmem>>, vector<1x256xf32>
    tpu.vector_store %arg10[%swap3A, %swap3A_46], %add3A_45 {strides = array<i32>} : memref<1x256xf32, #tpu.memory_space<vmem>>, vector<1x256xf32>,
    %eq3A_48 = arith.constant 19 : i32
    %eq3A_49 = arith.cmpi eq, %arg0, %eq3A_48 : i32
    %convert_element_type3A_50 = arith.extui %eq3A_49 : i1 to i32
    %cond3A_51 = arith.constant 0 : i32
    %cond3A_52 = arith.cmpi ne, %convert_element_type3A_50, %cond3A_51 : i32
    scf.if %cond3A_52 {
      %get3A_53 = arith.constant 0 : index
      %get3A_54 = arith.constant 0 : index
      %get3A_55 = vector.load %arg10[%get3A_53, %get3A_54] : memref<1x256xf32, #tpu.memory_space<vmem>>, vector<1x256xf32>
      %mul3A_56 = arith.constant 9.99999974E-5 : f32
      %mul3A_57 = vector.broadcast %mul3A_56 : f32 to vector<1x256xf32>
      %mul3A_58 = arith.mulf %get3A_55, %mul3A_57 : vector<1x256xf32>
      %get3A_59 = arith.constant 0 : index
      %get3A_60 = arith.constant 0 : index
      %get3A_61 = vector.load %arg5[%get3A_59, %get3A_60] : memref<256x256xf32, #tpu.memory_space<vmem>>, vector<256x256xf32>
      %dot_general3A_62 = arith.constant dense<0.000000e+00> : vector<1x256xf32>
      %dot_general3A_63 = tpu.matmul %mul3A_58, %get3A_61, %dot_general3A_62 {dimension_numbers = #tpu.dot_dimension_numbers<[1], [0], [0], [1], [0, 0, 1, 1], [], []>, transpose_lhs_hint = false} : vector<1x256xf32>, vector<256x256xf32>, vector<1x256xf32> -> vector<1x256xf32>
      %get3A_64 = arith.constant 0 : index
      %get3A_65 = arith.constant 0 : index
      %get3A_66 = vector.load %arg6[%get3A_64, %get3A_65] : memref<1x256xf32, #tpu.memory_space<vmem>>, vector<1x256xf32>
      %add3A_67 = arith.addf %dot_general3A_63, %get3A_66 : vector<1x256xf32>
      %get3A_68 = arith.constant 0 : index
      %get3A_69 = arith.constant 0 : index
      %get3A_70 = vector.load %arg7[%get3A_68, %get3A_69] : memref<256x128xf32, #tpu.memory_space<vmem>>, vector<256x128xf32>
      %dot_general3A_71 = arith.constant dense<0.000000e+00> : vector<1x128xf32>
      %dot_general3A_72 = tpu.matmul %add3A_67, %get3A_70, %dot_general3A_71 {dimension_numbers = #tpu.dot_dimension_numbers<[1], [0], [0], [1], [0, 0, 1, 1], [], []>, transpose_lhs_hint = false} : vector<1x256xf32>, vector<256x128xf32>, vector<1x128xf32> -> vector<1x128xf32>
      %get3A_73 = arith.constant 0 : index
      %get3A_74 = arith.constant 0 : index
      %get3A_75 = vector.load %arg8[%get3A_73, %get3A_74] : memref<1x128xf32, #tpu.memory_space<vmem>>, vector<1x128xf32>
      %add3A_76 = arith.addf %dot_general3A_72, %get3A_75 : vector<1x128xf32>
      %swap3A_77 = arith.constant 0 : index
      %swap3A_78 = arith.constant 0 : index
      %swap3A_79 = vector.load %arg9[%swap3A_77, %swap3A_78] : memref<1x128xf32, #tpu.memory_space<vmem>>, vector<1x128xf32>
      tpu.vector_store %arg9[%swap3A_77, %swap3A_78], %add3A_76 {strides = array<i32>} : memref<1x128xf32, #tpu.memory_space<vmem>>, vector<1x128xf32>,
    } else {
    }
    return
  }
  func.func @transform_0(%arg0: i32) -> (i32, i32, i32) {
    %c0_i32 = arith.constant 0 : i32
    %c0_i32_0 = arith.constant 0 : i32
    %c0_i32_1 = arith.constant 0 : i32
    return %c0_i32, %arg0, %c0_i32_0 : i32, i32, i32
  }
  func.func @transform_1(%arg0: i32) -> (i32, i32, i32) {
    %c0_i32 = arith.constant 0 : i32
    %c0_i32_0 = arith.constant 0 : i32
    %c0_i32_1 = arith.constant 0 : i32
    return %c0_i32, %arg0, %c0_i32_0 : i32, i32, i32
  }
  func.func @transform_2(%arg0: i32) -> (i32, i32) {
    %c0_i32 = arith.constant 0 : i32
    %c0_i32_0 = arith.constant 0 : i32
    %c0_i32_1 = arith.constant 0 : i32
    return %c0_i32, %c0_i32_0 : i32, i32
  }
  func.func @transform_3(%arg0: i32) -> (i32, i32) {
    %c0_i32 = arith.constant 0 : i32
    %c0_i32_0 = arith.constant 0 : i32
    %c0_i32_1 = arith.constant 0 : i32
    return %c0_i32, %c0_i32_0 : i32, i32
  }
  func.func @transform_4(%arg0: i32) -> (i32, i32) {
    %c0_i32 = arith.constant 0 : i32
    %c0_i32_0 = arith.constant 0 : i32
    %c0_i32_1 = arith.constant 0 : i32
    return %c0_i32, %c0_i32_0 : i32, i32
  }
  func.func @transform_5(%arg0: i32) -> (i32, i32) {
    %c0_i32 = arith.constant 0 : i32
    %c0_i32_0 = arith.constant 0 : i32
    %c0_i32_1 = arith.constant 0 : i32
    return %c0_i32, %c0_i32_0 : i32, i32
  }
  func.func @transform_6(%arg0: i32) -> (i32, i32) {
    %c0_i32 = arith.constant 0 : i32
    %c0_i32_0 = arith.constant 0 : i32
    %c0_i32_1 = arith.constant 0 : i32
    return %c0_i32, %c0_i32_0 : i32, i32
  }
  func.func @transform_7(%arg0: i32) -> (i32, i32) {
    %c0_i32 = arith.constant 0 : i32
    %c0_i32_0 = arith.constant 0 : i32
    %c0_i32_1 = arith.constant 0 : i32
    return %c0_i32, %c0_i32_0 : i32, i32
  }
  func.func @transform_8(%arg0: i32) -> (i32, i32) {
    %c0_i32 = arith.constant 0 : i32
    %c0_i32_0 = arith.constant 0 : i32
    %c0_i32_1 = arith.constant 0 : i32
    return %c0_i32, %c0_i32_0 : i32, i32
  }
}

</mosaic_0001>

<sc_bundles>
// kernel: kernel.10.cloned.1.call-start
scs
__scs_entry_jumppad:
0x0: {  	(pc) =	sbr.rel $0x88, $3  }
0x1: {  	(tag) =	ssettag $0x0;
	lr =	simm.s32 $0x1  }
0x2: {  	[smem:$0x3F94] =	sst lr;
	_ =	strace $0xD0000000  }
0x3: {  	_ = 	snop  }
0x4: {  	_ = 	snop  }
0x5: {  	_ = 	snop  }
0x6: {  	_ = 	snop  }
0x7: {  	_ = 	snop  }
__scs_overlays_trampoline_lowered:
0x8: {  	[smem:$0x3FA3] =	sst s0  }
0x9: {  	[smem:$0x3FA4] =	sst s1  }
0xa: {  	[smem:$0x3FA5] =	sst s2  }
0xb: {  	[smem:$0x3FA6] =	sst s3  }
0xc: {  	[smem:$0x3FA7] =	sst s4  }
0xd: {  	[smem:$0x3FA8] =	sst s5  }
0xe: {  	[smem:$0x3FA9] =	sst s6  }
0xf: {  	[smem:$0x3FAA] =	sst s7  }
0x10: {  	[smem:$0x3FAB] =	sst s8  }
0x11: {  	[smem:$0x3FAC] =	sst s9;
	s0 =	simm.s32 @!p0 $0x0  }
0x12: {  	s1 =	sld [smem:$0x3F92];
	s0 =	simm.s32 @p0 $0x1  }
0x13: {  	[smem:$0x3FAD] =	sst s0;
	s0 =	simm.s32 @!p1 $0x0  }
0x14: {  	s2 =	sld [smem:$0x3F91];
	s0 =	simm.s32 @p1 $0x1  }
0x15: {  	[smem:$0x3FAE] =	sst s0;
	s0 =	simm.s32 @!p2 $0x0  }
0x16: {  	s3 =	sld [smem:$0x3FDB];
	s0 =	simm.s32 @p2 $0x1  }
0x17: {  	s4 =	simm.s32 $0x1BF5;
	[smem:$0x3FB0] =	sst s0  }
0x18: {  	s0 =	sld [smem:$0x3F93];
	_ =	swait.ge [sflag:s4], $0x0  }
0x19: {  	s7 =	sld [smem:$0x3F94]  }
0x1a: {  	s8 =	sadd.s32 $0xFFFFE003, lr  }
0x1b: {  	s9 =	sadd.s32 $0xFFFFFEF7, lr;
	s5 =	simm.s32 $0xFFFFFFFF;
	p2 =	slt.u32 s8, $0xFFFFF086  }
0x1c: {  	p1 =	slt.u32 s9, $0xF7A;
	s5 =	simm.s32 @!p2 $0x0  }
0x1d: {  	s5 =	simm.s32 @p1 $0x1;
	p0 =	seq.s32 s7, s2  }
0x1e: {  	s7 =	smul.u32 @!p0 $0xF7A, s2;
	p2 =	seq.s32 @!p0 s5, $0x0  }
0x1f: {  	s9 =	smul.u32 $0xF7A, s1;
	s8 =	simm.s32 @!p0 $0x1BF5;
	p2 =	por !p2, p0  }
0x20: {  	[sflag:s8] =	ssyncset.s32 @!p0 $0xFFFFF086;
	s6 =	sadd.s32 @!p0 s3, s7;
	s7 =	simm.s32 @!p0 $0x108  }
0x21: {  	s3 =	sadd.s32 s3, s9;
	s6 =	sadd.s32 @!p0 $0x88, s6;
	s7 =	simm.s32 @p2 $0x1082  }
0x22: {  	[simem:s7], [sflag:s8] =	dma.local @!p0 [hbm:s6], $0xF7A  }
0x23: {  	s9 =	sor.u32 $0xD0000000, s2;
	s6 =	simm.s32 $0x108;
	_ =	swait.ge @!p0 [sflag:s8], $0x0  }
0x24: {  	s3 =	sadd.s32 $0x88, s3;
	s6 =	simm.s32 @!p1 $0x1082;
	[sflag:s4] =	ssyncset.s32 $0xFFFFF086  }
0x25: {  	[simem:s6], [sflag:s4] =	dma.local [hbm:s3], $0xF7A  }
0x26: {  	[smem:$0x3F94] =	sst s1;
	(tag) =	ssettag s2;
	_ =	strace s9  }
0x27: {  	s1 =	sld [smem:$0x3FA4]  }
0x28: {  	s2 =	sld [smem:$0x3FA5]  }
0x29: {  	s4 =	sld [smem:$0x3FA7]  }
0x2a: {  	p0 =	seq.s32 s5, $0x0;
	s5 =	sld [smem:$0x3FA8]  }
0x2b: {  	s6 =	sld [smem:$0x3FA9]  }
0x2c: {  	s7 =	sld [smem:$0x3FAA]  }
0x2d: {  	s3 =	simm.s32 $0x108;
	s8 =	sld [smem:$0x3FAB]  }
0x2e: {  	s3 =	simm.s32 @!p0 $0x1082;
	s9 =	sld [smem:$0x3FAC]  }
0x2f: {  	lr =	sadd.s32 s0, s3;
	s0 =	sld [smem:$0x3FA3]  }
0x30: {  	s3 =	sld [smem:$0x3FA6]  }
0x31: {  	[smem:$0x3FAF] =	sst s10  }
0x32: {  	s10 =	sld [smem:$0x3FAD];
	_ =	sdelay $0x3  }
0x33: {  	p0 =	seq.s32 s10, $0x1;
	s10 =	sld [smem:$0x3FAF];
	_ =	sdelay $0x3  }
0x34: {  	[smem:$0x3FAF] =	sst s10  }
0x35: {  	s10 =	sld [smem:$0x3FAE];
	_ =	sdelay $0x3  }
0x36: {  	p1 =	seq.s32 s10, $0x1;
	s10 =	sld [smem:$0x3FAF];
	_ =	sdelay $0x3  }
0x37: {  	[smem:$0x3FAF] =	sst s10  }
0x38: {  	s10 =	sld [smem:$0x3FB0]  }
0x39: {  	_ = 	snop;
	(pc) =	sbr.ind lr, $3  }
0x3a: {  	_ = 	snop  }
0x3b: {  	_ = 	snop  }
0x3c: {  	p2 =	seq.s32 s10, $0x1;
	s10 =	sld [smem:$0x3FAF]  }
0x3d: {  	_ =	shalt  }
0x3e: {  	_ =	shalt  }
0x3f: {  	_ =	shalt  }
0x40: {  	_ =	shalt  }
0x41: {  	_ =	shalt  }
0x42: {  	_ =	shalt  }
0x43: {  	_ =	shalt  }
0x44: {  	_ =	shalt  }
0x45: {  	_ =	shalt  }
0x46: {  	_ =	shalt  }
0x47: {  	_ =	shalt  }
0x48: {  	_ =	shalt  }
0x49: {  	_ =	shalt  }
0x4a: {  	_ =	shalt  }
0x4b: {  	_ =	shalt  }
0x4c: {  	_ =	shalt  }
0x4d: {  	_ =	shalt  }
0x4e: {  	_ =	shalt  }
0x4f: {  	_ =	shalt  }
0x50: {  	_ =	shalt  }
0x51: {  	_ =	shalt  }
0x52: {  	_ =	shalt  }
0x53: {  	_ =	shalt  }
0x54: {  	_ =	shalt  }
0x55: {  	_ =	shalt  }
0x56: {  	_ =	shalt  }
0x57: {  	_ =	shalt  }
0x58: {  	_ =	shalt  }
0x59: {  	_ =	shalt  }
0x5a: {  	_ =	shalt  }
0x5b: {  	_ =	shalt  }
0x5c: {  	_ =	shalt  }
0x5d: {  	_ =	shalt  }
0x5e: {  	_ =	shalt  }
0x5f: {  	_ =	shalt  }
0x60: {  	_ =	shalt  }
0x61: {  	_ =	shalt  }
0x62: {  	_ =	shalt  }
0x63: {  	_ =	shalt  }
0x64: {  	_ =	shalt  }
0x65: {  	_ =	shalt  }
0x66: {  	_ =	shalt  }
0x67: {  	_ =	shalt  }
0x68: {  	_ =	shalt  }
0x69: {  	_ =	shalt  }
0x6a: {  	_ =	shalt  }
0x6b: {  	_ =	shalt  }
0x6c: {  	_ =	shalt  }
0x6d: {  	_ =	shalt  }
0x6e: {  	_ =	shalt  }
0x6f: {  	_ =	shalt  }
0x70: {  	_ =	shalt  }
0x71: {  	_ =	shalt  }
0x72: {  	_ =	shalt  }
0x73: {  	_ =	shalt  }
0x74: {  	_ =	shalt  }
0x75: {  	_ =	shalt  }
0x76: {  	_ =	shalt  }
0x77: {  	_ =	shalt  }
0x78: {  	_ =	shalt  }
0x79: {  	_ =	shalt  }
0x7a: {  	_ =	shalt  }
0x7b: {  	_ =	shalt  }
0x7c: {  	_ =	shalt  }
0x7d: {  	_ =	shalt  }
0x7e: {  	_ =	shalt  }
0x7f: {  	_ =	shalt  }
0x80: {  	_ =	shalt  }
0x81: {  	_ =	shalt  }
0x82: {  	_ =	shalt  }
0x83: {  	_ =	shalt  }
0x84: {  	_ =	shalt  }
0x85: {  	_ =	shalt  }
0x86: {  	_ =	shalt  }
0x87: {  	_ =	shalt  }
.Lfunc_end0:
.L_simem_size_0:
called_computation.1_lowered:
.L_overlay_start_0:
0x88: {  	s2 =	sld [smem:$0x3FD9]  }
0x89: {  	s3 =	sld [smem:$0x3FFE];
	_ =	sdelay $0x1  }
0x8a: {  	s1 =	srdreg.scid  }
0x8b: {  	s0 =	sand.u32 $0x1, s1  }
0x8c: {  	s16 =	sshll.u32 s0, $0xA;
	s2 =	sadd.s32 s3, s2  }
0x8d: {  	s2 =	sadd.s32 s2, s16  }
0x8e: {  	[smem:$0x3FBB] =	sst s2  }
0x8f: {  	_ = 	snop  }
0x90: {  	(tm) =	ssettm $0x1  }
0x91: {  	s17 =	sld [smem:$0x3FFB];
	_ =	sdelay $0x3  }
0x92: {  	_ =	strace s17  }
0x93: {  	s2 =	sld [smem:$0x3FFC];
	_ =	sdelay $0x3  }
0x94: {  	_ =	strace s2  }
0x95: {  	s2 =	sld [smem:$0x3FFD];
	_ =	sdelay $0x3  }
0x96: {  	_ =	strace s2  }
0x97: {  	_ =	strace $0x8FFFFFFF  }
0x98: {  	s18 =	sld [smem:$0x3FDB];
	_ =	sdelay $0x1  }
0x99: {  	s19 =	simm.s32 $_scs_section_size  }
0x9a: {  	s4 =	simm.s32 $_size__tile_overlayer_lowered;
	s5 =	simm.s32 $_tile_overlayer_lowered  }
0x9b: {  	s22 =	simm.s32 $0x1BFF;
	s21 =	sshll.u32 s5, $0x1;
	s2 =	sadd.s32 s19, s18  }
0x9c: {  	s6 =	simm.s32 $0x0;
	s20 =	sshll.u32 s4, $0x1;
	s4 =	sadd.s32 s21, s2  }
0x9d: {  	[timem:s6], [sflag:s22] =	dma.local [hbm:s4], s20  }
0x9e: {  	_ =	swait.ge [sflag:s22], s20  }
0x9f: {  	s3 =	ssub.s32 $0x0, s20;
	[sflag:s22] =	ssyncset.done $0x0  }
0xa0: {  	[sflag:s22] =	ssyncadd.s32 s3;
	_ =	sdelay $0x1  }
0xa1: {  	s23 =	simm.s32 $0x1B8B  }
0xa2: {  	_ =	swait.ge [sflag:s23], $0x1  }
0xa3: {  	[sflag:s23] =	ssyncset.done $0x0  }
0xa4: {  	s25 =	simm.s32 $0x1B8E;
	s24 =	sld [smem:$0x3FFE];
	[sflag:s23] =	ssyncadd.s32 $0xFFFFFFFF  }
0xa5: {  	s26 =	simm.s32 $execute0_lowered;
	[smem:$0x3FD2] =	sst s25  }
0xa6: {  	s4 =	sshll.u32 s26, $0x1;
	_ =	strace $0x80000049;
	[dreg:$0x1] =	wrdreg $0xFFFFFFFF  }
0xa7: {  	s28 =	simm.s32 $_size_execute0_lowered;
	s2 =	sadd.s32 s2, s4;
	[dreg:$0x0] =	wrdreg $0x0  }
0xa8: {  	s4 =	sshll.u32 s28, $0x1;
	[dreg:$0x2] =	wrdreg s2  }
0xa9: {  	[dreg:$0x3] =	wrdreg s4  }
0xaa: {  	[dreg:$0x4] =	wrdreg $0xC0  }
0xab: {  	_ =	task [dreg:s6], $0x5FFFF  }
0xac: {  	[dreg:$0x1] =	wrdreg $0xFFFFFFFF  }
0xad: {  	[dreg:$0x0] =	wrdreg $0x60  }
0xae: {  	[dreg:$0x2] =	wrdreg s24  }
0xaf: {  	[dreg:$0x3] =	wrdreg $0xA0000  }
0xb0: {  	[dreg:$0x4] =	wrdreg $0x9  }
0xb1: {  	_ =	task.clear_ibuf [dreg:s6], $0x5FFFF;
	_ =	strace $0x90000049  }
0xb2: {  	s29 =	simm.s32 $0x9;
	_ =	strace $0x8000004B  }
0xb3: {  	_ =	swait.ge [sflag:s29], $0x1  }
0xb4: {  	[sflag:s29] =	ssyncadd.s32 $0xFFFFFFFF  }
0xb5: {  	_ =	strace $0x9000004B  }
0xb6: {  	_ =	sfence  }
0xb7: {  	s30 =	sld [smem:$0x0];
	_ =	sdelay $0x2  }
0xb8: {  	s31 =	sshll.u32 s1, $0xD;
	s1 =	sshrl.u32 s1, $0x2  }
0xb9: {  	s3 =	sand.u32 $0x4000, s31;
	s1 =	sadd.s32 s1, s30  }
0xba: {  	s0 =	sor.u32 s3, s0;
	s1 =	sshll.u32 s1, $0x11  }
0xbb: {  	s0 =	sor.u32 s1, s0  }
0xbc: {  	s0 =	sadd.s32 $0x8F2B, s0  }
0xbd: {  	[sflag:s0] =	ssyncadd.remote.s32 $0x1  }
0xbe: {  	_ =	sfence.sel $0xFFFF  }
0xbf: {  	[dreg:$0x0] =	wrdreg $0xFFFFFFFF;
	(pc) =	sbr.abs _section_cstart, $3  }
0xc0: {  	[dreg:$0x1] =	wrdreg $0xFFFFFFFF  }
0xc1: {  	_ =	task.clear_ibuf [dreg:s6], $0x2FFFF;
	_ =	strace $0x9FFFFFFF  }
0xc2: {  	(tm) =	ssettm $0x7FFFFFFF  }
0xc3: {  	_ =	shalt  }
tec
execute0_lowered:
.L_overlay_start_1:
0x0: {  	(tag) =	ssettag $0x1  }
0x1: {  	s8 =	rddreg [dreg:$0x0]  }
0x2: {  	s1 =	rddreg [dreg:$0x1]  }
0x3: {  	s0 =	rddreg [dreg:$0x2]  }
0x4: {  	s3 =	simm.s32 $0x0;
	s2 =	srdreg.scid;
	s16 =	simm.s32 $0x80  }
0x5: {  	s17 =	simm.s32 $0x2000;
	s18 =	simm.s32 $0x1;
	s19 =	simm.s32 $0x6000  }
0x6: {  	s20 =	simm.s32 $0x2;
	s21 =	simm.s32 $0x3;
	s22 =	simm.s32 $0x100  }
0x7: {  	s23 =	simm.s32 $0x1080;
	s24 =	simm.s32 $0x4;
	s25 =	simm.s32 $0x0  }
0x8: {  	[smem:$0x7FF] =	sst s3;
	s9 =	sand.u32 $0x1, s2;
	s2 =	stileid.u32  }
0x9: {  	s4 =	sadd.s32 $0x41600, s8;
	s5 =	sadd.s32 $0x91600, s8;
	s10 =	smul.u32 $0x140000, s9  }
0xa: {  	s6 =	sadd.s32 $0xCE00, s8;
	s7 =	sadd.s32 $0x3EE00, s8;
	s11 =	smul.u32 $0x14000, s2  }
0xb: {  	_ =	strace $0x8000004A;
	s28 =	smul.u32 $0x50000, s2;
	s12 =	ssub.s32 $0x2, s9  }
0xc: {  	s13 =	smul.u32 $0x50000, s9;
	s31 =	sshll.u32 s2, $0x6;
	s29 =	sshrl.u32 s12, $0x1  }
.Ltmp0:
0xd: {  	s9 =	sor.u32 $0x1C05, s31;
	s10 =	sadd.s32 s11, s10;
	(pc) =	sbr.rel .LBB2_1-.Ltmp0, $4  }
0xe: {  	s12 =	ssub.s32 s12, s29;
	s30 =	sshrl.u32 s28, $0x2;
	s10 =	sshrl.u32 s10, $0x3  }
0xf: {  	s15 =	sadd.s32 s30, s1;
	s14 =	sadd.s32 s10, s8;
	s8 =	smul.u32 $0x5000, s2  }
0x10: {  	s12 =	smax.u32 s12, $0x1;
	s11 =	sadd.s32 $0xA5600, s14;
	s14 =	simm.s32 $0x5  }
0x11: {  	s10 =	sadd.s32 s13, s8;
	s13 =	sshrl.u32 s15, $0x3;
	s15 =	simm.s32 $0x1000  }
.LBB2_6:
0x12: {  	s25 =	sadd.s32 $0x1, s25  }
0x13: {  	p0 =	sne.s32 s25, s12  }
.Ltmp1:
0x14: {  	[bflag:$0x0] =	sbarrier.arrive $0xFFFF;
	(pc) =	sbr.rel @!p0 .LBB2_7-.Ltmp1, $4  }
0x15: {  	[hbm:s11], [sflag:s9] =	dma.local [spmem:s13], $0x2800  }
0x16: {  	_ =	swait.ge [sflag:s14], $0x2800  }
0x17: {  	[sflag:s14] =	ssyncset.done $0x0  }
0x18: {  	[sflag:s14] =	ssyncadd.s32 $0xFFFFD800  }
.LBB2_1:
0x19: {  	[spmem:s13], [sflag:s9] =	dma.local [hbm:s7], $0x2800  }
.Ltmp2:
0x1a: {  	_ =	swait.ge [sflag:s14], $0x2800;
	(pc) =	sbr.rel .LBB2_2-.Ltmp2, $4  }
0x1b: {  	[sflag:s14] =	ssyncset.done $0x0  }
0x1c: {  	[sflag:s14] =	ssyncadd.s32 $0xFFFFD800  }
0x1d: {  	[bflag:$0x0] =	sbarrier.arrive $0xFFFF  }
0x1e: {  	s26 =	simm.s32 $0x0  }
.LBB2_5:
0x1f: {  	s26 =	sadd.s32 $0x1, s26  }
0x20: {  	p0 =	sne.s32 s26, $0x5  }
.Ltmp3:
0x21: {  	_ = 	snop;
	(pc) =	sbr.rel @!p0 .LBB2_6-.Ltmp3, $4  }
0x22: {  	[spmem:s1] =	stream.indirect.scatter.add.f32 [tilespmem:s19], [sflag:$0x4], $0x80, s30, s16, $0xb8;
	[tilespmem:$0x1E000] =	vst v63  }
0x23: {  	_ =	swait.ge [sflag:s24], $0x4000  }
0x24: {  	[sflag:s24] =	ssyncset.done $0x0  }
0x25: {  	[sflag:s24] =	ssyncadd.s32 $0xFFFFC000  }
.LBB2_2:
0x26: {  	s28 =	sshll.u32 s26, $0xC  }
0x27: {  	s29 =	sadd.s32 s10, s28  }
0x28: {  	s29 =	sshrl.u32 s29, $0x3  }
0x29: {  	s29 =	sadd.s32 s5, s29  }
0x2a: {  	[tilespmem:s3], [sflag:$0x5] =	stream.linear.gather [hbm4b:s29+s3], $0x1000, $0x38;
	[tilespmem:$0x1E000] =	vst v63  }
0x2b: {  	s28 =	sadd.s32 s8, s28;
	_ =	swait.ge [sflag:s14], $0x1000  }
0x2c: {  	s28 =	sshrl.u32 s28, $0x3;
	[sflag:s14] =	ssyncset.done $0x0  }
0x2d: {  	s28 =	sadd.s32 s6, s28;
	[sflag:s14] =	ssyncadd.s32 $0xFFFFF000  }
0x2e: {  	[tilespmem:s15], [sflag:$0x5] =	stream.linear.gather [hbm4b:s28+s3], $0x1000, $0x38;
	[tilespmem:$0x1E000] =	vst v63  }
0x2f: {  	_ =	swait.ge [sflag:s14], $0x1000  }
0x30: {  	[sflag:s14] =	ssyncset.done $0x0  }
0x31: {  	[sflag:s14] =	ssyncadd.s32 $0xFFFFF000  }
0x32: {  	[tilespmem:s17], [sflag:$0x1] =	stream.indirect.gather [hbm4b:s4+s16], $0x80, s3, s16, $0xb8;
	[tilespmem:$0x1E000] =	vst v63  }
0x33: {  	_ =	swait.ge [sflag:s18], $0x4000  }
0x34: {  	[sflag:s18] =	ssyncset.done $0x0  }
0x35: {  	[sflag:s18] =	ssyncadd.s32 $0xFFFFC000  }
0x36: {  	[tilespmem:s19], [sflag:$0x2] =	stream.indirect.gather [hbm4b:s4+s16], $0x80, s16, s16, $0xb8;
	[tilespmem:$0x1E000] =	vst v63  }
0x37: {  	_ = 	snop  }
0x38: {  	[spmem:s1] =	stream.indirect.scatter.add.f32 [tilespmem:s17], [sflag:$0x3], $0x80, s15, s16, $0xb8;
	[tilespmem:$0x1E000] =	vst v63  }
0x39: {  	_ =	swait.ge [sflag:s20], $0x4000  }
0x3a: {  	[sflag:s20] =	ssyncset.done $0x0  }
0x3b: {  	[sflag:s20] =	ssyncadd.s32 $0xFFFFC000  }
0x3c: {  	_ =	swait.ge [sflag:s21], $0x4000  }
0x3d: {  	[sflag:s21] =	ssyncset.done $0x0  }
0x3e: {  	[sflag:s21] =	ssyncadd.s32 $0xFFFFC000  }
0x3f: {  	[tilespmem:s17], [sflag:$0x1] =	stream.indirect.gather [hbm4b:s4+s16], $0x80, s22, s16, $0xb8;
	[tilespmem:$0x1E000] =	vst v63  }
0x40: {  	s28 =	simm.s32 $0xFFFFC800  }
0x41: {  	[spmem:s1] =	stream.indirect.scatter.add.f32 [tilespmem:s19], [sflag:$0x4], $0x80, s23, s16, $0xb8;
	[tilespmem:$0x1E000] =	vst v63  }
.LBB2_3:
0x42: {  	_ =	swait.ge [sflag:s18], $0x4000  }
0x43: {  	[sflag:s18] =	ssyncset.done $0x0  }
0x44: {  	[sflag:s18] =	ssyncadd.s32 $0xFFFFC000  }
0x45: {  	_ =	swait.ge [sflag:s24], $0x4000  }
0x46: {  	s29 =	sshra.s32 s28, $0x2;
	[sflag:s24] =	ssyncset.done $0x0  }
0x47: {  	s30 =	sadd.s32 $0xF80, s29;
	[sflag:s24] =	ssyncadd.s32 $0xFFFFC000  }
0x48: {  	[tilespmem:s19], [sflag:$0x2] =	stream.indirect.gather [hbm4b:s4+s16], $0x80, s30, s16, $0xb8;
	[tilespmem:$0x1E000] =	vst v63  }
0x49: {  	s30 =	sadd.s32 $0x1F00, s29  }
0x4a: {  	[spmem:s1] =	stream.indirect.scatter.add.f32 [tilespmem:s17], [sflag:$0x3], $0x80, s30, s16, $0xb8;
	[tilespmem:$0x1E000] =	vst v63  }
0x4b: {  	p0 =	seq.s32 s28, $0x0;
	_ =	swait.ge [sflag:s20], $0x4000  }
.Ltmp4:
0x4c: {  	[sflag:s20] =	ssyncset.done $0x0;
	(pc) =	sbr.rel @p0 .LBB2_5-.Ltmp4, $4  }
0x4d: {  	[sflag:s20] =	ssyncadd.s32 $0xFFFFC000  }
0x4e: {  	_ =	swait.ge [sflag:s21], $0x4000  }
0x4f: {  	[sflag:s21] =	ssyncset.done $0x0  }
0x50: {  	s30 =	sadd.s32 $0x1F80, s29;
	[sflag:s21] =	ssyncadd.s32 $0xFFFFC000  }
.Ltmp5:
0x51: {  	(pc) =	sbr.rel .LBB2_3-.Ltmp5, $4  }
0x52: {  	s29 =	sadd.s32 $0x1000, s29  }
0x53: {  	[tilespmem:s17], [sflag:$0x1] =	stream.indirect.gather [hbm4b:s4+s16], $0x80, s29, s16, $0xb8;
	[tilespmem:$0x1E000] =	vst v63  }
0x54: {  	s28 =	sadd.s32 $0x400, s28  }
0x55: {  	[spmem:s1] =	stream.indirect.scatter.add.f32 [tilespmem:s19], [sflag:$0x4], $0x80, s30, s16, $0xb8;
	[tilespmem:$0x1E000] =	vst v63  }
.LBB2_7:
0x56: {  	_ =	sfence.sel $0x180000  }
0x57: {  	[bflag:$0x0] =	sbarrier.arrive $0xFFFF  }
0x58: {  	p0 =	sne.s32 s2, $0x0;
	_ =	strace $0x9000004A  }
0x59: {  	s0 =	sadd.s32 @!p0 $0x100000, s0;
	[bflag:$0x2] =	sbarrier.arrive $0xFFFF  }
0x5a: {  	[sflag:s0] =	ssyncadd.tile.s32 @!p0 $0x1;
	_ =	shalt  }
.Lfunc_end2:
_tile_overlayer_lowered:
.L_overlay_start_2:
0x5b: {  	(tag) =	ssettag $0x2  }
0x5c: {  	s0 =	rddreg [dreg:$0x0];
	s2 =	stileid.u32  }
0x5d: {  	s1 =	rddreg [dreg:$0x1];
	p0 =	sne.s32 s2, $0x0  }
0x5e: {  	s3 =	rddreg [dreg:$0x2];
	[bflag:$0x3] =	sbarrier.arrive $0xFFFF;
	s2 =	simm.s32 @!p0 $0x1C05  }
0x5f: {  	[timem:s3], [sflag:s2] =	dma.local @!p0 [hbm:s0], s1  }
0x60: {  	s0 =	simm.s32 @!p0 $0x5  }
0x61: {  	_ =	swait.ge @!p0 [sflag:s0], s1  }
0x62: {  	s1 =	ssub.s32 @!p0 $0x0, s1;
	[sflag:s0] =	ssyncset.done @!p0 $0x0  }
0x63: {  	[sflag:s0] =	ssyncadd.s32 @!p0 s1  }
0x64: {  	[bflag:$0x3] =	sbarrier.arrive $0xFFFF  }
0x65: {  	_ =	shalt  }

// kernel: kernel.7.cloned.1.call-start
scs
__scs_entry_jumppad:
0x0: {  	(pc) =	sbr.rel $0x88, $3  }
0x1: {  	(tag) =	ssettag $0x0;
	lr =	simm.s32 $0x1  }
0x2: {  	[smem:$0x3F94] =	sst lr;
	_ =	strace $0xD0000000  }
0x3: {  	_ = 	snop  }
0x4: {  	_ = 	snop  }
0x5: {  	_ = 	snop  }
0x6: {  	_ = 	snop  }
0x7: {  	_ = 	snop  }
__scs_overlays_trampoline_lowered:
0x8: {  	[smem:$0x3FA3] =	sst s0  }
0x9: {  	[smem:$0x3FA4] =	sst s1  }
0xa: {  	[smem:$0x3FA5] =	sst s2  }
0xb: {  	[smem:$0x3FA6] =	sst s3  }
0xc: {  	[smem:$0x3FA7] =	sst s4  }
0xd: {  	[smem:$0x3FA8] =	sst s5  }
0xe: {  	[smem:$0x3FA9] =	sst s6  }
0xf: {  	[smem:$0x3FAA] =	sst s7  }
0x10: {  	[smem:$0x3FAB] =	sst s8  }
0x11: {  	[smem:$0x3FAC] =	sst s9;
	s0 =	simm.s32 @!p0 $0x0  }
0x12: {  	s1 =	sld [smem:$0x3F92];
	s0 =	simm.s32 @p0 $0x1  }
0x13: {  	[smem:$0x3FAD] =	sst s0;
	s0 =	simm.s32 @!p1 $0x0  }
0x14: {  	s2 =	sld [smem:$0x3F91];
	s0 =	simm.s32 @p1 $0x1  }
0x15: {  	[smem:$0x3FAE] =	sst s0;
	s0 =	simm.s32 @!p2 $0x0  }
0x16: {  	s3 =	sld [smem:$0x3FDB];
	s0 =	simm.s32 @p2 $0x1  }
0x17: {  	s4 =	simm.s32 $0x1BF5;
	[smem:$0x3FB0] =	sst s0  }
0x18: {  	s0 =	sld [smem:$0x3F93];
	_ =	swait.ge [sflag:s4], $0x0  }
0x19: {  	s7 =	sld [smem:$0x3F94]  }
0x1a: {  	s8 =	sadd.s32 $0xFFFFE003, lr  }
0x1b: {  	s9 =	sadd.s32 $0xFFFFFEF7, lr;
	s5 =	simm.s32 $0xFFFFFFFF;
	p2 =	slt.u32 s8, $0xFFFFF086  }
0x1c: {  	p1 =	slt.u32 s9, $0xF7A;
	s5 =	simm.s32 @!p2 $0x0  }
0x1d: {  	s5 =	simm.s32 @p1 $0x1;
	p0 =	seq.s32 s7, s2  }
0x1e: {  	s7 =	smul.u32 @!p0 $0xF7A, s2;
	p2 =	seq.s32 @!p0 s5, $0x0  }
0x1f: {  	s9 =	smul.u32 $0xF7A, s1;
	s8 =	simm.s32 @!p0 $0x1BF5;
	p2 =	por !p2, p0  }
0x20: {  	[sflag:s8] =	ssyncset.s32 @!p0 $0xFFFFF086;
	s6 =	sadd.s32 @!p0 s3, s7;
	s7 =	simm.s32 @!p0 $0x108  }
0x21: {  	s3 =	sadd.s32 s3, s9;
	s6 =	sadd.s32 @!p0 $0x88, s6;
	s7 =	simm.s32 @p2 $0x1082  }
0x22: {  	[simem:s7], [sflag:s8] =	dma.local @!p0 [hbm:s6], $0xF7A  }
0x23: {  	s9 =	sor.u32 $0xD0000000, s2;
	s6 =	simm.s32 $0x108;
	_ =	swait.ge @!p0 [sflag:s8], $0x0  }
0x24: {  	s3 =	sadd.s32 $0x88, s3;
	s6 =	simm.s32 @!p1 $0x1082;
	[sflag:s4] =	ssyncset.s32 $0xFFFFF086  }
0x25: {  	[simem:s6], [sflag:s4] =	dma.local [hbm:s3], $0xF7A  }
0x26: {  	[smem:$0x3F94] =	sst s1;
	(tag) =	ssettag s2;
	_ =	strace s9  }
0x27: {  	s1 =	sld [smem:$0x3FA4]  }
0x28: {  	s2 =	sld [smem:$0x3FA5]  }
0x29: {  	s4 =	sld [smem:$0x3FA7]  }
0x2a: {  	p0 =	seq.s32 s5, $0x0;
	s5 =	sld [smem:$0x3FA8]  }
0x2b: {  	s6 =	sld [smem:$0x3FA9]  }
0x2c: {  	s7 =	sld [smem:$0x3FAA]  }
0x2d: {  	s3 =	simm.s32 $0x108;
	s8 =	sld [smem:$0x3FAB]  }
0x2e: {  	s3 =	simm.s32 @!p0 $0x1082;
	s9 =	sld [smem:$0x3FAC]  }
0x2f: {  	lr =	sadd.s32 s0, s3;
	s0 =	sld [smem:$0x3FA3]  }
0x30: {  	s3 =	sld [smem:$0x3FA6]  }
0x31: {  	[smem:$0x3FAF] =	sst s10  }
0x32: {  	s10 =	sld [smem:$0x3FAD];
	_ =	sdelay $0x3  }
0x33: {  	p0 =	seq.s32 s10, $0x1;
	s10 =	sld [smem:$0x3FAF];
	_ =	sdelay $0x3  }
0x34: {  	[smem:$0x3FAF] =	sst s10  }
0x35: {  	s10 =	sld [smem:$0x3FAE];
	_ =	sdelay $0x3  }
0x36: {  	p1 =	seq.s32 s10, $0x1;
	s10 =	sld [smem:$0x3FAF];
	_ =	sdelay $0x3  }
0x37: {  	[smem:$0x3FAF] =	sst s10  }
0x38: {  	s10 =	sld [smem:$0x3FB0]  }
0x39: {  	_ = 	snop;
	(pc) =	sbr.ind lr, $3  }
0x3a: {  	_ = 	snop  }
0x3b: {  	_ = 	snop  }
0x3c: {  	p2 =	seq.s32 s10, $0x1;
	s10 =	sld [smem:$0x3FAF]  }
0x3d: {  	_ =	shalt  }
0x3e: {  	_ =	shalt  }
0x3f: {  	_ =	shalt  }
0x40: {  	_ =	shalt  }
0x41: {  	_ =	shalt  }
0x42: {  	_ =	shalt  }
0x43: {  	_ =	shalt  }
0x44: {  	_ =	shalt  }
0x45: {  	_ =	shalt  }
0x46: {  	_ =	shalt  }
0x47: {  	_ =	shalt  }
0x48: {  	_ =	shalt  }
0x49: {  	_ =	shalt  }
0x4a: {  	_ =	shalt  }
0x4b: {  	_ =	shalt  }
0x4c: {  	_ =	shalt  }
0x4d: {  	_ =	shalt  }
0x4e: {  	_ =	shalt  }
0x4f: {  	_ =	shalt  }
0x50: {  	_ =	shalt  }
0x51: {  	_ =	shalt  }
0x52: {  	_ =	shalt  }
0x53: {  	_ =	shalt  }
0x54: {  	_ =	shalt  }
0x55: {  	_ =	shalt  }
0x56: {  	_ =	shalt  }
0x57: {  	_ =	shalt  }
0x58: {  	_ =	shalt  }
0x59: {  	_ =	shalt  }
0x5a: {  	_ =	shalt  }
0x5b: {  	_ =	shalt  }
0x5c: {  	_ =	shalt  }
0x5d: {  	_ =	shalt  }
0x5e: {  	_ =	shalt  }
0x5f: {  	_ =	shalt  }
0x60: {  	_ =	shalt  }
0x61: {  	_ =	shalt  }
0x62: {  	_ =	shalt  }
0x63: {  	_ =	shalt  }
0x64: {  	_ =	shalt  }
0x65: {  	_ =	shalt  }
0x66: {  	_ =	shalt  }
0x67: {  	_ =	shalt  }
0x68: {  	_ =	shalt  }
0x69: {  	_ =	shalt  }
0x6a: {  	_ =	shalt  }
0x6b: {  	_ =	shalt  }
0x6c: {  	_ =	shalt  }
0x6d: {  	_ =	shalt  }
0x6e: {  	_ =	shalt  }
0x6f: {  	_ =	shalt  }
0x70: {  	_ =	shalt  }
0x71: {  	_ =	shalt  }
0x72: {  	_ =	shalt  }
0x73: {  	_ =	shalt  }
0x74: {  	_ =	shalt  }
0x75: {  	_ =	shalt  }
0x76: {  	_ =	shalt  }
0x77: {  	_ =	shalt  }
0x78: {  	_ =	shalt  }
0x79: {  	_ =	shalt  }
0x7a: {  	_ =	shalt  }
0x7b: {  	_ =	shalt  }
0x7c: {  	_ =	shalt  }
0x7d: {  	_ =	shalt  }
0x7e: {  	_ =	shalt  }
0x7f: {  	_ =	shalt  }
0x80: {  	_ =	shalt  }
0x81: {  	_ =	shalt  }
0x82: {  	_ =	shalt  }
0x83: {  	_ =	shalt  }
0x84: {  	_ =	shalt  }
0x85: {  	_ =	shalt  }
0x86: {  	_ =	shalt  }
0x87: {  	_ =	shalt  }
.Lfunc_end0:
.L_simem_size_0:
called_computation_lowered:
.L_overlay_start_0:
0x88: {  	s2 =	sld [smem:$0x3FD9]  }
0x89: {  	s3 =	sld [smem:$0x3FFE];
	_ =	sdelay $0x1  }
0x8a: {  	s1 =	srdreg.scid  }
0x8b: {  	s0 =	sand.u32 $0x1, s1  }
0x8c: {  	s16 =	sshll.u32 s0, $0xA;
	s2 =	sadd.s32 s3, s2  }
0x8d: {  	s2 =	sadd.s32 s2, s16  }
0x8e: {  	[smem:$0x3FBB] =	sst s2  }
0x8f: {  	_ = 	snop  }
0x90: {  	(tm) =	ssettm $0x1  }
0x91: {  	s17 =	sld [smem:$0x3FFB];
	_ =	sdelay $0x3  }
0x92: {  	_ =	strace s17  }
0x93: {  	s2 =	sld [smem:$0x3FFC];
	_ =	sdelay $0x3  }
0x94: {  	_ =	strace s2  }
0x95: {  	s2 =	sld [smem:$0x3FFD];
	_ =	sdelay $0x3  }
0x96: {  	_ =	strace s2  }
0x97: {  	_ =	strace $0x8FFFFFFF  }
0x98: {  	s18 =	sld [smem:$0x3FDB];
	_ =	sdelay $0x1  }
0x99: {  	s19 =	simm.s32 $_scs_section_size  }
0x9a: {  	s4 =	simm.s32 $_size__tile_overlayer_lowered;
	s5 =	simm.s32 $_tile_overlayer_lowered  }
0x9b: {  	s22 =	simm.s32 $0x1BFF;
	s21 =	sshll.u32 s5, $0x1;
	s2 =	sadd.s32 s19, s18  }
0x9c: {  	s6 =	simm.s32 $0x0;
	s20 =	sshll.u32 s4, $0x1;
	s4 =	sadd.s32 s21, s2  }
0x9d: {  	[timem:s6], [sflag:s22] =	dma.local [hbm:s4], s20  }
0x9e: {  	_ =	swait.ge [sflag:s22], s20  }
0x9f: {  	s3 =	ssub.s32 $0x0, s20;
	[sflag:s22] =	ssyncset.done $0x0  }
0xa0: {  	[sflag:s22] =	ssyncadd.s32 s3;
	_ =	sdelay $0x1  }
0xa1: {  	s23 =	simm.s32 $0x1B8B  }
0xa2: {  	_ =	swait.ge [sflag:s23], $0x1  }
0xa3: {  	[sflag:s23] =	ssyncset.done $0x0  }
0xa4: {  	s25 =	simm.s32 $0x1B8E;
	s24 =	sld [smem:$0x3FFE];
	[sflag:s23] =	ssyncadd.s32 $0xFFFFFFFF  }
0xa5: {  	s26 =	simm.s32 $execute0_lowered;
	[smem:$0x3FD2] =	sst s25  }
0xa6: {  	s4 =	sshll.u32 s26, $0x1;
	_ =	strace $0x80000046;
	[dreg:$0x1] =	wrdreg $0xFFFFFFFF  }
0xa7: {  	s28 =	simm.s32 $_size_execute0_lowered;
	s2 =	sadd.s32 s2, s4;
	[dreg:$0x0] =	wrdreg $0x0  }
0xa8: {  	s4 =	sshll.u32 s28, $0x1;
	[dreg:$0x2] =	wrdreg s2  }
0xa9: {  	[dreg:$0x3] =	wrdreg s4  }
0xaa: {  	[dreg:$0x4] =	wrdreg $0xC0  }
0xab: {  	_ =	task [dreg:s6], $0x5FFFF  }
0xac: {  	[dreg:$0x1] =	wrdreg $0xFFFFFFFF  }
0xad: {  	[dreg:$0x0] =	wrdreg $0x60  }
0xae: {  	[dreg:$0x2] =	wrdreg s24  }
0xaf: {  	[dreg:$0x3] =	wrdreg $0x90000  }
0xb0: {  	[dreg:$0x4] =	wrdreg $0x9  }
0xb1: {  	_ =	task.clear_ibuf [dreg:s6], $0x5FFFF;
	_ =	strace $0x90000046  }
0xb2: {  	s29 =	simm.s32 $0x9;
	_ =	strace $0x80000048  }
0xb3: {  	_ =	swait.ge [sflag:s29], $0x1  }
0xb4: {  	[sflag:s29] =	ssyncadd.s32 $0xFFFFFFFF  }
0xb5: {  	_ =	strace $0x90000048  }
0xb6: {  	_ =	sfence  }
0xb7: {  	s30 =	sld [smem:$0x0];
	_ =	sdelay $0x2  }
0xb8: {  	s31 =	sshll.u32 s1, $0xD;
	s1 =	sshrl.u32 s1, $0x2  }
0xb9: {  	s3 =	sand.u32 $0x4000, s31;
	s1 =	sadd.s32 s1, s30  }
0xba: {  	s0 =	sor.u32 s3, s0;
	s1 =	sshll.u32 s1, $0x11  }
0xbb: {  	s0 =	sor.u32 s1, s0  }
0xbc: {  	s0 =	sadd.s32 $0x8F2B, s0  }
0xbd: {  	[sflag:s0] =	ssyncadd.remote.s32 $0x1  }
0xbe: {  	_ =	sfence.sel $0xFFFF  }
0xbf: {  	[dreg:$0x0] =	wrdreg $0xFFFFFFFF;
	(pc) =	sbr.abs _section_cstart, $3  }
0xc0: {  	[dreg:$0x1] =	wrdreg $0xFFFFFFFF  }
0xc1: {  	_ =	task.clear_ibuf [dreg:s6], $0x2FFFF;
	_ =	strace $0x9FFFFFFF  }
0xc2: {  	(tm) =	ssettm $0x7FFFFFFF  }
0xc3: {  	_ =	shalt  }
tec
execute0_lowered:
.L_overlay_start_1:
0x0: {  	(tag) =	ssettag $0x1  }
0x1: {  	s0 =	srdreg.scid  }
0x2: {  	s1 =	rddreg [dreg:$0x0];
	s9 =	stileid.u32  }
0x3: {  	s2 =	rddreg [dreg:$0x1];
	s3 =	simm.s32 $0x0;
	s12 =	simm.s32 $0x100  }
0x4: {  	s14 =	simm.s32 $0x880;
	s15 =	simm.s32 $0x180;
	s16 =	simm.s32 $0x900  }
0x5: {  	s17 =	simm.s32 $0x200;
	[smem:$0x7FF] =	sst s3;
	s8 =	sadd.s32 $0x3EE00, s1  }
0x6: {  	s18 =	simm.s32 $0x980;
	_ =	strace $0x80000047;
	[dreg:$0x13] =	wrdreg s8  }
0x7: {  	s19 =	simm.s32 $0x280;
	s20 =	simm.s32 $0xA00;
	[dreg:$0x5] =	wrdreg s12  }
0x8: {  	s21 =	simm.s32 $0x300;
	s22 =	simm.s32 $0xA80;
	[dreg:$0x6] =	wrdreg s14  }
0x9: {  	s23 =	simm.s32 $0x380;
	s28 =	simm.s32 $0x680;
	[dreg:$0x7] =	wrdreg s15  }
0xa: {  	s29 =	simm.s32 $0xE00;
	s30 =	simm.s32 $0x700;
	[dreg:$0x8] =	wrdreg s16  }
0xb: {  	s31 =	simm.s32 $0xE80;
	s5 =	smul.u32 $0x2800, s9;
	[dreg:$0x9] =	wrdreg s17  }
0xc: {  	s0 =	sand.u32 $0x1, s0;
	s7 =	smul.u32 $0x14000, s9;
	[dreg:$0xa] =	wrdreg s18  }
0xd: {  	s26 =	smul.u32 $0x50000, s9;
	s13 =	sshll.u32 s9, $0x6;
	[dreg:$0xb] =	wrdreg s19  }
0xe: {  	s9 =	simm.s32 $0x0;
	s4 =	smul.u32 $0x28000, s0;
	[dreg:$0xc] =	wrdreg s20  }
0xf: {  	s24 =	smul.u32 $0x140000, s0;
	s0 =	ssub.s32 $0x2, s0;
	[dreg:$0xd] =	wrdreg s21  }
0x10: {  	s12 =	simm.s32 $0x80;
	s14 =	simm.s32 $0x1;
	[dreg:$0xe] =	wrdreg s22  }
0x11: {  	s15 =	simm.s32 $0x5000;
	[dreg:$0xf] =	wrdreg s23;
	s16 =	simm.s32 $0x2  }
0x12: {  	s17 =	simm.s32 $0x3;
	s18 =	simm.s32 $0x4;
	s19 =	simm.s32 $0x480  }
0x13: {  	s20 =	simm.s32 $0xC00;
	s21 =	simm.s32 $0x500;
	s22 =	simm.s32 $0xC80  }
0x14: {  	s23 =	simm.s32 $0x580;
	s25 =	sshrl.u32 s0, $0x1;
	s8 =	sshrl.u32 s26, $0x2  }
0x15: {  	s26 =	simm.s32 $0xB80;
	s4 =	sadd.s32 s5, s4;
	s5 =	sadd.s32 s7, s24  }
0x16: {  	s0 =	ssub.s32 s0, s25;
	s11 =	sadd.s32 s8, s2;
	s24 =	simm.s32 $0xB00  }
0x17: {  	s25 =	simm.s32 $0x400;
	[dreg:$0x12] =	wrdreg s26;
	s26 =	simm.s32 $0xD80  }
0x18: {  	s6 =	sshrl.u32 s4, $0x3;
	s4 =	sadd.s32 $0x16E00, s1;
	s5 =	sshrl.u32 s5, $0x3  }
0x19: {  	s0 =	smax.u32 s0, $0x1;
	s8 =	sshrl.u32 s11, $0x3;
	[dreg:$0x10] =	wrdreg s24  }
0x1a: {  	s11 =	simm.s32 $0x800;
	[dreg:$0x11] =	wrdreg s25;
	s24 =	simm.s32 $0xD00  }
0x1b: {  	s25 =	simm.s32 $0x600;
	s6 =	sadd.s32 s6, s1;
	[dreg:$0x16] =	wrdreg s0  }
0x1c: {  	s1 =	sadd.s32 s5, s1;
	[dreg:$0x17] =	wrdreg s8;
	s7 =	sadd.s32 $0xCE00, s6  }
0x1d: {  	s0 =	simm.s32 $0xF00;
	s10 =	sadd.s32 $0x2E00, s6;
	[dreg:$0x3] =	wrdreg s7  }
0x1e: {  	s5 =	simm.s32 $0xF80;
	s1 =	sadd.s32 $0x41600, s1;
	[dreg:$0x4] =	wrdreg s10  }
0x1f: {  	s7 =	sor.u32 $0x1C05, s13;
	[dreg:$0x15] =	wrdreg s1;
	s10 =	simm.s32 $0x5  }
0x20: {  	s13 =	simm.s32 $0x1000;
	s1 =	simm.s32 $0x780;
	[dreg:$0x14] =	wrdreg s7  }
.LBB2_1:
0x21: {  	[dreg:$0x18] =	wrdreg s9  }
0x22: {  	s6 =	rddreg [dreg:$0x13]  }
0x23: {  	[spmem:s8], [sflag:s7] =	dma.local [hbm:s6], $0x2800  }
0x24: {  	_ =	swait.ge [sflag:s10], $0x2800  }
0x25: {  	[sflag:s10] =	ssyncset.done $0x0  }
0x26: {  	[sflag:s10] =	ssyncadd.s32 $0xFFFFD800  }
0x27: {  	[bflag:$0x0] =	sbarrier.arrive $0xFFFF  }
0x28: {  	s7 =	rddreg [dreg:$0x4]  }
0x29: {  	s6 =	sadd.s32 $0x0, s7  }
0x2a: {  	[tilespmem:s3], [sflag:$0x5] =	stream.linear.gather [hbm4b:s6+s3], $0x800, $0x38;
	[tilespmem:$0x1D000] =	vst v63  }
0x2b: {  	_ =	swait.ge [sflag:s10], $0x800  }
0x2c: {  	s8 =	rddreg [dreg:$0x3];
	[sflag:s10] =	ssyncset.done $0x0  }
0x2d: {  	[sflag:s10] =	ssyncadd.s32 $0xFFFFF800;
	s6 =	sadd.s32 $0x0, s8  }
0x2e: {  	[tilespmem:s11], [sflag:$0x5] =	stream.linear.gather [hbm4b:s6+s3], $0x800, $0x38;
	[tilespmem:$0x1D000] =	vst v63  }
0x2f: {  	_ =	swait.ge [sflag:s10], $0x800  }
0x30: {  	[sflag:s10] =	ssyncset.done $0x0  }
0x31: {  	[sflag:s10] =	ssyncadd.s32 $0xFFFFF800  }
0x32: {  	[tilespmem:s13], [sflag:$0x1] =	stream.indirect.gather [hbm4b:s4+s12], $0x80, s3, s12, $0xb8;
	[tilespmem:$0x1D000] =	vst v63  }
0x33: {  	_ =	swait.ge [sflag:s14], $0x4000  }
0x34: {  	[sflag:s14] =	ssyncset.done $0x0  }
0x35: {  	[sflag:s14] =	ssyncadd.s32 $0xFFFFC000  }
0x36: {  	[tilespmem:s15], [sflag:$0x2] =	stream.indirect.gather [hbm4b:s4+s12], $0x80, s12, s12, $0xb8;
	[tilespmem:$0x1D000] =	vst v63  }
0x37: {  	_ = 	snop  }
0x38: {  	[spmem:s2] =	stream.indirect.scatter.add.f32 [tilespmem:s13], [sflag:$0x3], $0x80, s11, s12, $0xb8;
	[tilespmem:$0x1D000] =	vst v63  }
0x39: {  	_ =	swait.ge [sflag:s16], $0x4000  }
0x3a: {  	[sflag:s16] =	ssyncset.done $0x0  }
0x3b: {  	[sflag:s16] =	ssyncadd.s32 $0xFFFFC000  }
0x3c: {  	_ =	swait.ge [sflag:s17], $0x4000  }
0x3d: {  	[sflag:s17] =	ssyncset.done $0x0  }
0x3e: {  	s9 =	rddreg [dreg:$0x5];
	[sflag:s17] =	ssyncadd.s32 $0xFFFFC000  }
0x3f: {  	[tilespmem:s13], [sflag:$0x1] =	stream.indirect.gather [hbm4b:s4+s12], $0x80, s9, s12, $0xb8;
	[tilespmem:$0x1D000] =	vst v63  }
0x40: {  	s7 =	rddreg [dreg:$0x6]  }
0x41: {  	[spmem:s2] =	stream.indirect.scatter.add.f32 [tilespmem:s15], [sflag:$0x4], $0x80, s7, s12, $0xb8;
	[tilespmem:$0x1D000] =	vst v63  }
0x42: {  	_ =	swait.ge [sflag:s14], $0x4000  }
0x43: {  	[sflag:s14] =	ssyncset.done $0x0  }
0x44: {  	[sflag:s14] =	ssyncadd.s32 $0xFFFFC000  }
0x45: {  	_ =	swait.ge [sflag:s18], $0x4000  }
0x46: {  	[sflag:s18] =	ssyncset.done $0x0  }
0x47: {  	s9 =	rddreg [dreg:$0x7];
	[sflag:s18] =	ssyncadd.s32 $0xFFFFC000  }
0x48: {  	[tilespmem:s15], [sflag:$0x2] =	stream.indirect.gather [hbm4b:s4+s12], $0x80, s9, s12, $0xb8;
	[tilespmem:$0x1D000] =	vst v63  }
0x49: {  	s7 =	rddreg [dreg:$0x8]  }
0x4a: {  	[spmem:s2] =	stream.indirect.scatter.add.f32 [tilespmem:s13], [sflag:$0x3], $0x80, s7, s12, $0xb8;
	[tilespmem:$0x1D000] =	vst v63  }
0x4b: {  	_ =	swait.ge [sflag:s16], $0x4000  }
0x4c: {  	[sflag:s16] =	ssyncset.done $0x0  }
0x4d: {  	[sflag:s16] =	ssyncadd.s32 $0xFFFFC000  }
0x4e: {  	_ =	swait.ge [sflag:s17], $0x4000  }
0x4f: {  	[sflag:s17] =	ssyncset.done $0x0  }
0x50: {  	s9 =	rddreg [dreg:$0x9];
	[sflag:s17] =	ssyncadd.s32 $0xFFFFC000  }
0x51: {  	[tilespmem:s13], [sflag:$0x1] =	stream.indirect.gather [hbm4b:s4+s12], $0x80, s9, s12, $0xb8;
	[tilespmem:$0x1D000] =	vst v63  }
0x52: {  	s7 =	rddreg [dreg:$0xa]  }
0x53: {  	[spmem:s2] =	stream.indirect.scatter.add.f32 [tilespmem:s15], [sflag:$0x4], $0x80, s7, s12, $0xb8;
	[tilespmem:$0x1D000] =	vst v63  }
0x54: {  	_ =	swait.ge [sflag:s14], $0x4000  }
0x55: {  	[sflag:s14] =	ssyncset.done $0x0  }
0x56: {  	[sflag:s14] =	ssyncadd.s32 $0xFFFFC000  }
0x57: {  	_ =	swait.ge [sflag:s18], $0x4000  }
0x58: {  	[sflag:s18] =	ssyncset.done $0x0  }
0x59: {  	s9 =	rddreg [dreg:$0xb];
	[sflag:s18] =	ssyncadd.s32 $0xFFFFC000  }
0x5a: {  	[tilespmem:s15], [sflag:$0x2] =	stream.indirect.gather [hbm4b:s4+s12], $0x80, s9, s12, $0xb8;
	[tilespmem:$0x1D000] =	vst v63  }
0x5b: {  	s7 =	rddreg [dreg:$0xc]  }
0x5c: {  	[spmem:s2] =	stream.indirect.scatter.add.f32 [tilespmem:s13], [sflag:$0x3], $0x80, s7, s12, $0xb8;
	[tilespmem:$0x1D000] =	vst v63  }
0x5d: {  	_ =	swait.ge [sflag:s16], $0x4000  }
0x5e: {  	[sflag:s16] =	ssyncset.done $0x0  }
0x5f: {  	[sflag:s16] =	ssyncadd.s32 $0xFFFFC000  }
0x60: {  	_ =	swait.ge [sflag:s17], $0x4000  }
0x61: {  	[sflag:s17] =	ssyncset.done $0x0  }
0x62: {  	s9 =	rddreg [dreg:$0xd];
	[sflag:s17] =	ssyncadd.s32 $0xFFFFC000  }
0x63: {  	[tilespmem:s13], [sflag:$0x1] =	stream.indirect.gather [hbm4b:s4+s12], $0x80, s9, s12, $0xb8;
	[tilespmem:$0x1D000] =	vst v63  }
0x64: {  	s7 =	rddreg [dreg:$0xe]  }
0x65: {  	[spmem:s2] =	stream.indirect.scatter.add.f32 [tilespmem:s15], [sflag:$0x4], $0x80, s7, s12, $0xb8;
	[tilespmem:$0x1D000] =	vst v63  }
0x66: {  	_ =	swait.ge [sflag:s14], $0x4000  }
0x67: {  	[sflag:s14] =	ssyncset.done $0x0  }
0x68: {  	[sflag:s14] =	ssyncadd.s32 $0xFFFFC000  }
0x69: {  	_ =	swait.ge [sflag:s18], $0x4000  }
0x6a: {  	[sflag:s18] =	ssyncset.done $0x0  }
0x6b: {  	s9 =	rddreg [dreg:$0xf];
	[sflag:s18] =	ssyncadd.s32 $0xFFFFC000  }
0x6c: {  	[tilespmem:s15], [sflag:$0x2] =	stream.indirect.gather [hbm4b:s4+s12], $0x80, s9, s12, $0xb8;
	[tilespmem:$0x1D000] =	vst v63  }
0x6d: {  	s7 =	rddreg [dreg:$0x10]  }
0x6e: {  	[spmem:s2] =	stream.indirect.scatter.add.f32 [tilespmem:s13], [sflag:$0x3], $0x80, s7, s12, $0xb8;
	[tilespmem:$0x1D000] =	vst v63  }
0x6f: {  	_ =	swait.ge [sflag:s16], $0x4000  }
0x70: {  	[sflag:s16] =	ssyncset.done $0x0  }
0x71: {  	[sflag:s16] =	ssyncadd.s32 $0xFFFFC000  }
0x72: {  	_ =	swait.ge [sflag:s17], $0x4000  }
0x73: {  	[sflag:s17] =	ssyncset.done $0x0  }
0x74: {  	s8 =	rddreg [dreg:$0x11];
	[sflag:s17] =	ssyncadd.s32 $0xFFFFC000  }
0x75: {  	[tilespmem:s13], [sflag:$0x1] =	stream.indirect.gather [hbm4b:s4+s12], $0x80, s8, s12, $0xb8;
	[tilespmem:$0x1D000] =	vst v63  }
0x76: {  	s9 =	rddreg [dreg:$0x12]  }
0x77: {  	[spmem:s2] =	stream.indirect.scatter.add.f32 [tilespmem:s15], [sflag:$0x4], $0x80, s9, s12, $0xb8;
	[tilespmem:$0x1D000] =	vst v63  }
0x78: {  	_ =	swait.ge [sflag:s14], $0x4000  }
0x79: {  	[sflag:s14] =	ssyncset.done $0x0  }
0x7a: {  	[sflag:s14] =	ssyncadd.s32 $0xFFFFC000  }
0x7b: {  	_ =	swait.ge [sflag:s18], $0x4000  }
0x7c: {  	[sflag:s18] =	ssyncset.done $0x0  }
0x7d: {  	[sflag:s18] =	ssyncadd.s32 $0xFFFFC000  }
0x7e: {  	[tilespmem:s15], [sflag:$0x2] =	stream.indirect.gather [hbm4b:s4+s12], $0x80, s19, s12, $0xb8;
	[tilespmem:$0x1D000] =	vst v63  }
0x7f: {  	_ = 	snop  }
0x80: {  	[spmem:s2] =	stream.indirect.scatter.add.f32 [tilespmem:s13], [sflag:$0x3], $0x80, s20, s12, $0xb8;
	[tilespmem:$0x1D000] =	vst v63  }
0x81: {  	_ =	swait.ge [sflag:s16], $0x4000  }
0x82: {  	[sflag:s16] =	ssyncset.done $0x0  }
0x83: {  	[sflag:s16] =	ssyncadd.s32 $0xFFFFC000  }
0x84: {  	_ =	swait.ge [sflag:s17], $0x4000  }
0x85: {  	[sflag:s17] =	ssyncset.done $0x0  }
0x86: {  	[sflag:s17] =	ssyncadd.s32 $0xFFFFC000  }
0x87: {  	[tilespmem:s13], [sflag:$0x1] =	stream.indirect.gather [hbm4b:s4+s12], $0x80, s21, s12, $0xb8;
	[tilespmem:$0x1D000] =	vst v63  }
0x88: {  	_ = 	snop  }
0x89: {  	[spmem:s2] =	stream.indirect.scatter.add.f32 [tilespmem:s15], [sflag:$0x4], $0x80, s22, s12, $0xb8;
	[tilespmem:$0x1D000] =	vst v63  }
0x8a: {  	_ =	swait.ge [sflag:s14], $0x4000  }
0x8b: {  	[sflag:s14] =	ssyncset.done $0x0  }
0x8c: {  	[sflag:s14] =	ssyncadd.s32 $0xFFFFC000  }
0x8d: {  	_ =	swait.ge [sflag:s18], $0x4000  }
0x8e: {  	[sflag:s18] =	ssyncset.done $0x0  }
0x8f: {  	[sflag:s18] =	ssyncadd.s32 $0xFFFFC000  }
0x90: {  	[tilespmem:s15], [sflag:$0x2] =	stream.indirect.gather [hbm4b:s4+s12], $0x80, s23, s12, $0xb8;
	[tilespmem:$0x1D000] =	vst v63  }
0x91: {  	_ = 	snop  }
0x92: {  	[spmem:s2] =	stream.indirect.scatter.add.f32 [tilespmem:s13], [sflag:$0x3], $0x80, s24, s12, $0xb8;
	[tilespmem:$0x1D000] =	vst v63  }
0x93: {  	_ =	swait.ge [sflag:s16], $0x4000  }
0x94: {  	[sflag:s16] =	ssyncset.done $0x0  }
0x95: {  	[sflag:s16] =	ssyncadd.s32 $0xFFFFC000  }
0x96: {  	_ =	swait.ge [sflag:s17], $0x4000  }
0x97: {  	[sflag:s17] =	ssyncset.done $0x0  }
0x98: {  	[sflag:s17] =	ssyncadd.s32 $0xFFFFC000  }
0x99: {  	[tilespmem:s13], [sflag:$0x1] =	stream.indirect.gather [hbm4b:s4+s12], $0x80, s25, s12, $0xb8;
	[tilespmem:$0x1D000] =	vst v63  }
0x9a: {  	_ = 	snop  }
0x9b: {  	[spmem:s2] =	stream.indirect.scatter.add.f32 [tilespmem:s15], [sflag:$0x4], $0x80, s26, s12, $0xb8;
	[tilespmem:$0x1D000] =	vst v63  }
0x9c: {  	_ =	swait.ge [sflag:s14], $0x4000  }
0x9d: {  	[sflag:s14] =	ssyncset.done $0x0  }
0x9e: {  	[sflag:s14] =	ssyncadd.s32 $0xFFFFC000  }
0x9f: {  	_ =	swait.ge [sflag:s18], $0x4000  }
0xa0: {  	[sflag:s18] =	ssyncset.done $0x0  }
0xa1: {  	[sflag:s18] =	ssyncadd.s32 $0xFFFFC000  }
0xa2: {  	[tilespmem:s15], [sflag:$0x2] =	stream.indirect.gather [hbm4b:s4+s12], $0x80, s28, s12, $0xb8;
	[tilespmem:$0x1D000] =	vst v63  }
0xa3: {  	_ = 	snop  }
0xa4: {  	[spmem:s2] =	stream.indirect.scatter.add.f32 [tilespmem:s13], [sflag:$0x3], $0x80, s29, s12, $0xb8;
	[tilespmem:$0x1D000] =	vst v63  }
0xa5: {  	_ =	swait.ge [sflag:s16], $0x4000  }
0xa6: {  	[sflag:s16] =	ssyncset.done $0x0  }
0xa7: {  	[sflag:s16] =	ssyncadd.s32 $0xFFFFC000  }
0xa8: {  	_ =	swait.ge [sflag:s17], $0x4000  }
0xa9: {  	[sflag:s17] =	ssyncset.done $0x0  }
0xaa: {  	[sflag:s17] =	ssyncadd.s32 $0xFFFFC000  }
0xab: {  	[tilespmem:s13], [sflag:$0x1] =	stream.indirect.gather [hbm4b:s4+s12], $0x80, s30, s12, $0xb8;
	[tilespmem:$0x1D000] =	vst v63  }
0xac: {  	_ = 	snop  }
0xad: {  	[spmem:s2] =	stream.indirect.scatter.add.f32 [tilespmem:s15], [sflag:$0x4], $0x80, s31, s12, $0xb8;
	[tilespmem:$0x1D000] =	vst v63  }
0xae: {  	_ =	swait.ge [sflag:s14], $0x4000  }
0xaf: {  	[sflag:s14] =	ssyncset.done $0x0  }
0xb0: {  	[sflag:s14] =	ssyncadd.s32 $0xFFFFC000  }
0xb1: {  	_ =	swait.ge [sflag:s18], $0x4000  }
0xb2: {  	[sflag:s18] =	ssyncset.done $0x0  }
0xb3: {  	[sflag:s18] =	ssyncadd.s32 $0xFFFFC000  }
0xb4: {  	[tilespmem:s15], [sflag:$0x2] =	stream.indirect.gather [hbm4b:s4+s12], $0x80, s1, s12, $0xb8;
	[tilespmem:$0x1D000] =	vst v63  }
0xb5: {  	_ = 	snop  }
0xb6: {  	[spmem:s2] =	stream.indirect.scatter.add.f32 [tilespmem:s13], [sflag:$0x3], $0x80, s0, s12, $0xb8;
	[tilespmem:$0x1D000] =	vst v63  }
0xb7: {  	_ =	swait.ge [sflag:s16], $0x4000  }
0xb8: {  	[sflag:s16] =	ssyncset.done $0x0  }
0xb9: {  	[sflag:s16] =	ssyncadd.s32 $0xFFFFC000  }
0xba: {  	_ =	swait.ge [sflag:s17], $0x4000  }
0xbb: {  	[sflag:s17] =	ssyncset.done $0x0  }
0xbc: {  	[sflag:s17] =	ssyncadd.s32 $0xFFFFC000  }
0xbd: {  	[spmem:s2] =	stream.indirect.scatter.add.f32 [tilespmem:s15], [sflag:$0x4], $0x80, s5, s12, $0xb8;
	[tilespmem:$0x1D000] =	vst v63  }
0xbe: {  	s6 =	simm.s32 $0x200;
	_ =	swait.ge [sflag:s18], $0x4000  }
0xbf: {  	s8 =	simm.s32 $0x100;
	s9 =	rddreg [dreg:$0x4];
	[sflag:s18] =	ssyncset.done $0x0  }
.LBB2_2:
0xc0: {  	[sflag:s18] =	ssyncadd.s32 $0xFFFFC000;
	s9 =	sadd.s32 s8, s9  }
0xc1: {  	[tilespmem:s3], [sflag:$0x5] =	stream.linear.gather [hbm4b:s9+s3], $0x800, $0x38;
	[tilespmem:$0x1D000] =	vst v63  }
0xc2: {  	_ =	swait.ge [sflag:s10], $0x800  }
0xc3: {  	s9 =	rddreg [dreg:$0x3];
	[sflag:s10] =	ssyncset.done $0x0  }
0xc4: {  	[sflag:s10] =	ssyncadd.s32 $0xFFFFF800;
	s9 =	sadd.s32 s8, s9  }
0xc5: {  	[tilespmem:s11], [sflag:$0x5] =	stream.linear.gather [hbm4b:s9+s3], $0x800, $0x38;
	[tilespmem:$0x1D000] =	vst v63  }
0xc6: {  	_ =	swait.ge [sflag:s10], $0x800  }
0xc7: {  	[sflag:s10] =	ssyncset.done $0x0  }
0xc8: {  	[sflag:s10] =	ssyncadd.s32 $0xFFFFF800  }
0xc9: {  	[tilespmem:s13], [sflag:$0x1] =	stream.indirect.gather [hbm4b:s4+s12], $0x80, s3, s12, $0xb8;
	[tilespmem:$0x1D000] =	vst v63  }
0xca: {  	_ =	swait.ge [sflag:s14], $0x4000  }
0xcb: {  	[sflag:s14] =	ssyncset.done $0x0  }
0xcc: {  	[sflag:s14] =	ssyncadd.s32 $0xFFFFC000  }
0xcd: {  	[tilespmem:s15], [sflag:$0x2] =	stream.indirect.gather [hbm4b:s4+s12], $0x80, s12, s12, $0xb8;
	[tilespmem:$0x1D000] =	vst v63  }
0xce: {  	_ = 	snop  }
0xcf: {  	[spmem:s2] =	stream.indirect.scatter.add.f32 [tilespmem:s13], [sflag:$0x3], $0x80, s11, s12, $0xb8;
	[tilespmem:$0x1D000] =	vst v63  }
0xd0: {  	_ =	swait.ge [sflag:s16], $0x4000  }
0xd1: {  	[sflag:s16] =	ssyncset.done $0x0  }
0xd2: {  	[sflag:s16] =	ssyncadd.s32 $0xFFFFC000  }
0xd3: {  	_ =	swait.ge [sflag:s17], $0x4000  }
0xd4: {  	s7 =	smov.u32 s6;
	[sflag:s17] =	ssyncset.done $0x0  }
0xd5: {  	s8 =	smov.u32 s7;
	s7 =	rddreg [dreg:$0x5];
	[sflag:s17] =	ssyncadd.s32 $0xFFFFC000  }
0xd6: {  	[tilespmem:s13], [sflag:$0x1] =	stream.indirect.gather [hbm4b:s4+s12], $0x80, s7, s12, $0xb8;
	[tilespmem:$0x1D000] =	vst v63  }
0xd7: {  	s9 =	rddreg [dreg:$0x6]  }
0xd8: {  	[spmem:s2] =	stream.indirect.scatter.add.f32 [tilespmem:s15], [sflag:$0x4], $0x80, s9, s12, $0xb8;
	[tilespmem:$0x1D000] =	vst v63  }
0xd9: {  	_ =	swait.ge [sflag:s14], $0x4000  }
0xda: {  	[sflag:s14] =	ssyncset.done $0x0  }
0xdb: {  	[sflag:s14] =	ssyncadd.s32 $0xFFFFC000  }
0xdc: {  	_ =	swait.ge [sflag:s18], $0x4000  }
0xdd: {  	[sflag:s18] =	ssyncset.done $0x0  }
0xde: {  	s7 =	rddreg [dreg:$0x7];
	[sflag:s18] =	ssyncadd.s32 $0xFFFFC000  }
0xdf: {  	[tilespmem:s15], [sflag:$0x2] =	stream.indirect.gather [hbm4b:s4+s12], $0x80, s7, s12, $0xb8;
	[tilespmem:$0x1D000] =	vst v63  }
0xe0: {  	s9 =	rddreg [dreg:$0x8]  }
0xe1: {  	[spmem:s2] =	stream.indirect.scatter.add.f32 [tilespmem:s13], [sflag:$0x3], $0x80, s9, s12, $0xb8;
	[tilespmem:$0x1D000] =	vst v63  }
0xe2: {  	_ =	swait.ge [sflag:s16], $0x4000  }
0xe3: {  	[sflag:s16] =	ssyncset.done $0x0  }
0xe4: {  	[sflag:s16] =	ssyncadd.s32 $0xFFFFC000  }
0xe5: {  	_ =	swait.ge [sflag:s17], $0x4000  }
0xe6: {  	[sflag:s17] =	ssyncset.done $0x0  }
0xe7: {  	s7 =	rddreg [dreg:$0x9];
	[sflag:s17] =	ssyncadd.s32 $0xFFFFC000  }
0xe8: {  	[tilespmem:s13], [sflag:$0x1] =	stream.indirect.gather [hbm4b:s4+s12], $0x80, s7, s12, $0xb8;
	[tilespmem:$0x1D000] =	vst v63  }
0xe9: {  	s9 =	rddreg [dreg:$0xa]  }
0xea: {  	[spmem:s2] =	stream.indirect.scatter.add.f32 [tilespmem:s15], [sflag:$0x4], $0x80, s9, s12, $0xb8;
	[tilespmem:$0x1D000] =	vst v63  }
0xeb: {  	_ =	swait.ge [sflag:s14], $0x4000  }
0xec: {  	[sflag:s14] =	ssyncset.done $0x0  }
0xed: {  	[sflag:s14] =	ssyncadd.s32 $0xFFFFC000  }
0xee: {  	_ =	swait.ge [sflag:s18], $0x4000  }
0xef: {  	[sflag:s18] =	ssyncset.done $0x0  }
0xf0: {  	s7 =	rddreg [dreg:$0xb];
	[sflag:s18] =	ssyncadd.s32 $0xFFFFC000  }
0xf1: {  	[tilespmem:s15], [sflag:$0x2] =	stream.indirect.gather [hbm4b:s4+s12], $0x80, s7, s12, $0xb8;
	[tilespmem:$0x1D000] =	vst v63  }
0xf2: {  	s9 =	rddreg [dreg:$0xc]  }
0xf3: {  	[spmem:s2] =	stream.indirect.scatter.add.f32 [tilespmem:s13], [sflag:$0x3], $0x80, s9, s12, $0xb8;
	[tilespmem:$0x1D000] =	vst v63  }
0xf4: {  	_ =	swait.ge [sflag:s16], $0x4000  }
0xf5: {  	[sflag:s16] =	ssyncset.done $0x0  }
0xf6: {  	[sflag:s16] =	ssyncadd.s32 $0xFFFFC000  }
0xf7: {  	_ =	swait.ge [sflag:s17], $0x4000  }
0xf8: {  	[sflag:s17] =	ssyncset.done $0x0  }
0xf9: {  	s7 =	rddreg [dreg:$0xd];
	[sflag:s17] =	ssyncadd.s32 $0xFFFFC000  }
0xfa: {  	[tilespmem:s13], [sflag:$0x1] =	stream.indirect.gather [hbm4b:s4+s12], $0x80, s7, s12, $0xb8;
	[tilespmem:$0x1D000] =	vst v63  }
0xfb: {  	s9 =	rddreg [dreg:$0xe]  }
0xfc: {  	[spmem:s2] =	stream.indirect.scatter.add.f32 [tilespmem:s15], [sflag:$0x4], $0x80, s9, s12, $0xb8;
	[tilespmem:$0x1D000] =	vst v63  }
0xfd: {  	_ =	swait.ge [sflag:s14], $0x4000  }
0xfe: {  	[sflag:s14] =	ssyncset.done $0x0  }
0xff: {  	[sflag:s14] =	ssyncadd.s32 $0xFFFFC000  }
0x100: {  	_ =	swait.ge [sflag:s18], $0x4000  }
0x101: {  	[sflag:s18] =	ssyncset.done $0x0  }
0x102: {  	s7 =	rddreg [dreg:$0xf];
	[sflag:s18] =	ssyncadd.s32 $0xFFFFC000  }
0x103: {  	[tilespmem:s15], [sflag:$0x2] =	stream.indirect.gather [hbm4b:s4+s12], $0x80, s7, s12, $0xb8;
	[tilespmem:$0x1D000] =	vst v63  }
0x104: {  	s9 =	rddreg [dreg:$0x10]  }
0x105: {  	[spmem:s2] =	stream.indirect.scatter.add.f32 [tilespmem:s13], [sflag:$0x3], $0x80, s9, s12, $0xb8;
	[tilespmem:$0x1D000] =	vst v63  }
0x106: {  	_ =	swait.ge [sflag:s16], $0x4000  }
0x107: {  	[sflag:s16] =	ssyncset.done $0x0  }
0x108: {  	[sflag:s16] =	ssyncadd.s32 $0xFFFFC000  }
0x109: {  	_ =	swait.ge [sflag:s17], $0x4000  }
0x10a: {  	[sflag:s17] =	ssyncset.done $0x0  }
0x10b: {  	s7 =	rddreg [dreg:$0x11];
	[sflag:s17] =	ssyncadd.s32 $0xFFFFC000  }
0x10c: {  	[tilespmem:s13], [sflag:$0x1] =	stream.indirect.gather [hbm4b:s4+s12], $0x80, s7, s12, $0xb8;
	[tilespmem:$0x1D000] =	vst v63  }
0x10d: {  	s9 =	rddreg [dreg:$0x12]  }
0x10e: {  	[spmem:s2] =	stream.indirect.scatter.add.f32 [tilespmem:s15], [sflag:$0x4], $0x80, s9, s12, $0xb8;
	[tilespmem:$0x1D000] =	vst v63  }
0x10f: {  	_ =	swait.ge [sflag:s14], $0x4000  }
0x110: {  	[sflag:s14] =	ssyncset.done $0x0  }
0x111: {  	[sflag:s14] =	ssyncadd.s32 $0xFFFFC000  }
0x112: {  	_ =	swait.ge [sflag:s18], $0x4000  }
0x113: {  	[sflag:s18] =	ssyncset.done $0x0  }
0x114: {  	[sflag:s18] =	ssyncadd.s32 $0xFFFFC000  }
0x115: {  	[tilespmem:s15], [sflag:$0x2] =	stream.indirect.gather [hbm4b:s4+s12], $0x80, s19, s12, $0xb8;
	[tilespmem:$0x1D000] =	vst v63  }
0x116: {  	_ = 	snop  }
0x117: {  	[spmem:s2] =	stream.indirect.scatter.add.f32 [tilespmem:s13], [sflag:$0x3], $0x80, s20, s12, $0xb8;
	[tilespmem:$0x1D000] =	vst v63  }
0x118: {  	_ =	swait.ge [sflag:s16], $0x4000  }
0x119: {  	[sflag:s16] =	ssyncset.done $0x0  }
0x11a: {  	[sflag:s16] =	ssyncadd.s32 $0xFFFFC000  }
0x11b: {  	_ =	swait.ge [sflag:s17], $0x4000  }
0x11c: {  	[sflag:s17] =	ssyncset.done $0x0  }
0x11d: {  	[sflag:s17] =	ssyncadd.s32 $0xFFFFC000  }
0x11e: {  	[tilespmem:s13], [sflag:$0x1] =	stream.indirect.gather [hbm4b:s4+s12], $0x80, s21, s12, $0xb8;
	[tilespmem:$0x1D000] =	vst v63  }
0x11f: {  	_ = 	snop  }
0x120: {  	[spmem:s2] =	stream.indirect.scatter.add.f32 [tilespmem:s15], [sflag:$0x4], $0x80, s22, s12, $0xb8;
	[tilespmem:$0x1D000] =	vst v63  }
0x121: {  	_ =	swait.ge [sflag:s14], $0x4000  }
0x122: {  	[sflag:s14] =	ssyncset.done $0x0  }
0x123: {  	[sflag:s14] =	ssyncadd.s32 $0xFFFFC000  }
0x124: {  	_ =	swait.ge [sflag:s18], $0x4000  }
0x125: {  	[sflag:s18] =	ssyncset.done $0x0  }
0x126: {  	[sflag:s18] =	ssyncadd.s32 $0xFFFFC000  }
0x127: {  	[tilespmem:s15], [sflag:$0x2] =	stream.indirect.gather [hbm4b:s4+s12], $0x80, s23, s12, $0xb8;
	[tilespmem:$0x1D000] =	vst v63  }
0x128: {  	_ = 	snop  }
0x129: {  	[spmem:s2] =	stream.indirect.scatter.add.f32 [tilespmem:s13], [sflag:$0x3], $0x80, s24, s12, $0xb8;
	[tilespmem:$0x1D000] =	vst v63  }
0x12a: {  	_ =	swait.ge [sflag:s16], $0x4000  }
0x12b: {  	[sflag:s16] =	ssyncset.done $0x0  }
0x12c: {  	[sflag:s16] =	ssyncadd.s32 $0xFFFFC000  }
0x12d: {  	_ =	swait.ge [sflag:s17], $0x4000  }
0x12e: {  	[sflag:s17] =	ssyncset.done $0x0  }
0x12f: {  	[sflag:s17] =	ssyncadd.s32 $0xFFFFC000  }
0x130: {  	[tilespmem:s13], [sflag:$0x1] =	stream.indirect.gather [hbm4b:s4+s12], $0x80, s25, s12, $0xb8;
	[tilespmem:$0x1D000] =	vst v63  }
0x131: {  	_ = 	snop  }
0x132: {  	[spmem:s2] =	stream.indirect.scatter.add.f32 [tilespmem:s15], [sflag:$0x4], $0x80, s26, s12, $0xb8;
	[tilespmem:$0x1D000] =	vst v63  }
0x133: {  	_ =	swait.ge [sflag:s14], $0x4000  }
0x134: {  	[sflag:s14] =	ssyncset.done $0x0  }
0x135: {  	[sflag:s14] =	ssyncadd.s32 $0xFFFFC000  }
0x136: {  	_ =	swait.ge [sflag:s18], $0x4000  }
0x137: {  	[sflag:s18] =	ssyncset.done $0x0  }
0x138: {  	[sflag:s18] =	ssyncadd.s32 $0xFFFFC000  }
0x139: {  	[tilespmem:s15], [sflag:$0x2] =	stream.indirect.gather [hbm4b:s4+s12], $0x80, s28, s12, $0xb8;
	[tilespmem:$0x1D000] =	vst v63  }
0x13a: {  	_ = 	snop  }
0x13b: {  	[spmem:s2] =	stream.indirect.scatter.add.f32 [tilespmem:s13], [sflag:$0x3], $0x80, s29, s12, $0xb8;
	[tilespmem:$0x1D000] =	vst v63  }
0x13c: {  	_ =	swait.ge [sflag:s16], $0x4000  }
0x13d: {  	[sflag:s16] =	ssyncset.done $0x0  }
0x13e: {  	[sflag:s16] =	ssyncadd.s32 $0xFFFFC000  }
0x13f: {  	_ =	swait.ge [sflag:s17], $0x4000  }
0x140: {  	[sflag:s17] =	ssyncset.done $0x0  }
0x141: {  	[sflag:s17] =	ssyncadd.s32 $0xFFFFC000  }
0x142: {  	[tilespmem:s13], [sflag:$0x1] =	stream.indirect.gather [hbm4b:s4+s12], $0x80, s30, s12, $0xb8;
	[tilespmem:$0x1D000] =	vst v63  }
0x143: {  	_ = 	snop  }
0x144: {  	[spmem:s2] =	stream.indirect.scatter.add.f32 [tilespmem:s15], [sflag:$0x4], $0x80, s31, s12, $0xb8;
	[tilespmem:$0x1D000] =	vst v63  }
0x145: {  	_ =	swait.ge [sflag:s14], $0x4000  }
0x146: {  	[sflag:s14] =	ssyncset.done $0x0  }
0x147: {  	[sflag:s14] =	ssyncadd.s32 $0xFFFFC000  }
0x148: {  	_ =	swait.ge [sflag:s18], $0x4000  }
0x149: {  	[sflag:s18] =	ssyncset.done $0x0  }
0x14a: {  	[sflag:s18] =	ssyncadd.s32 $0xFFFFC000  }
0x14b: {  	[tilespmem:s15], [sflag:$0x2] =	stream.indirect.gather [hbm4b:s4+s12], $0x80, s1, s12, $0xb8;
	[tilespmem:$0x1D000] =	vst v63  }
0x14c: {  	_ = 	snop  }
0x14d: {  	[spmem:s2] =	stream.indirect.scatter.add.f32 [tilespmem:s13], [sflag:$0x3], $0x80, s0, s12, $0xb8;
	[tilespmem:$0x1D000] =	vst v63  }
0x14e: {  	_ =	swait.ge [sflag:s16], $0x4000  }
0x14f: {  	[sflag:s16] =	ssyncset.done $0x0  }
0x150: {  	[sflag:s16] =	ssyncadd.s32 $0xFFFFC000  }
0x151: {  	p0 =	sne.s32 s6, $0x400;
	_ =	swait.ge [sflag:s17], $0x4000  }
.Ltmp0:
0x152: {  	[sflag:s17] =	ssyncset.done $0x0;
	(pc) =	sbr.rel @p0 .LBB2_2-.Ltmp0, $4  }
0x153: {  	[sflag:s17] =	ssyncadd.s32 $0xFFFFC000  }
0x154: {  	[spmem:s2] =	stream.indirect.scatter.add.f32 [tilespmem:s15], [sflag:$0x4], $0x80, s5, s12, $0xb8;
	[tilespmem:$0x1D000] =	vst v63  }
0x155: {  	_ =	swait.ge [sflag:s18], $0x4000  }
0x156: {  	s6 =	sadd.s32 $0x100, s6;
	s9 =	rddreg [dreg:$0x4];
	[sflag:s18] =	ssyncset.done $0x0  }
0x157: {  	[sflag:s18] =	ssyncadd.s32 $0xFFFFC000;
	s6 =	sadd.s32 s8, s9  }
0x158: {  	[tilespmem:s3], [sflag:$0x5] =	stream.linear.gather [hbm4b:s6+s3], $0x800, $0x38;
	[tilespmem:$0x1D000] =	vst v63  }
0x159: {  	_ =	swait.ge [sflag:s10], $0x800  }
0x15a: {  	s7 =	rddreg [dreg:$0x3];
	[sflag:s10] =	ssyncset.done $0x0  }
0x15b: {  	[sflag:s10] =	ssyncadd.s32 $0xFFFFF800;
	s6 =	sadd.s32 s8, s7  }
0x15c: {  	[tilespmem:s11], [sflag:$0x5] =	stream.linear.gather [hbm4b:s6+s3], $0x800, $0x38;
	[tilespmem:$0x1D000] =	vst v63  }
0x15d: {  	_ =	swait.ge [sflag:s10], $0x800  }
0x15e: {  	[sflag:s10] =	ssyncset.done $0x0  }
0x15f: {  	[sflag:s10] =	ssyncadd.s32 $0xFFFFF800  }
0x160: {  	[tilespmem:s13], [sflag:$0x1] =	stream.indirect.gather [hbm4b:s4+s12], $0x80, s3, s12, $0xb8;
	[tilespmem:$0x1D000] =	vst v63  }
0x161: {  	_ =	swait.ge [sflag:s14], $0x4000  }
0x162: {  	[sflag:s14] =	ssyncset.done $0x0  }
0x163: {  	[sflag:s14] =	ssyncadd.s32 $0xFFFFC000  }
0x164: {  	[tilespmem:s15], [sflag:$0x2] =	stream.indirect.gather [hbm4b:s4+s12], $0x80, s12, s12, $0xb8;
	[tilespmem:$0x1D000] =	vst v63  }
0x165: {  	_ = 	snop  }
0x166: {  	[spmem:s2] =	stream.indirect.scatter.add.f32 [tilespmem:s13], [sflag:$0x3], $0x80, s11, s12, $0xb8;
	[tilespmem:$0x1D000] =	vst v63  }
0x167: {  	_ =	swait.ge [sflag:s16], $0x4000  }
0x168: {  	[sflag:s16] =	ssyncset.done $0x0  }
0x169: {  	[sflag:s16] =	ssyncadd.s32 $0xFFFFC000  }
0x16a: {  	_ =	swait.ge [sflag:s17], $0x4000  }
0x16b: {  	[sflag:s17] =	ssyncset.done $0x0  }
0x16c: {  	s9 =	rddreg [dreg:$0x5];
	[sflag:s17] =	ssyncadd.s32 $0xFFFFC000  }
0x16d: {  	[tilespmem:s13], [sflag:$0x1] =	stream.indirect.gather [hbm4b:s4+s12], $0x80, s9, s12, $0xb8;
	[tilespmem:$0x1D000] =	vst v63  }
0x16e: {  	s7 =	rddreg [dreg:$0x6]  }
0x16f: {  	[spmem:s2] =	stream.indirect.scatter.add.f32 [tilespmem:s15], [sflag:$0x4], $0x80, s7, s12, $0xb8;
	[tilespmem:$0x1D000] =	vst v63  }
0x170: {  	_ =	swait.ge [sflag:s14], $0x4000  }
0x171: {  	[sflag:s14] =	ssyncset.done $0x0  }
0x172: {  	[sflag:s14] =	ssyncadd.s32 $0xFFFFC000  }
0x173: {  	_ =	swait.ge [sflag:s18], $0x4000  }
0x174: {  	[sflag:s18] =	ssyncset.done $0x0  }
0x175: {  	s8 =	rddreg [dreg:$0x7];
	[sflag:s18] =	ssyncadd.s32 $0xFFFFC000  }
0x176: {  	[tilespmem:s15], [sflag:$0x2] =	stream.indirect.gather [hbm4b:s4+s12], $0x80, s8, s12, $0xb8;
	[tilespmem:$0x1D000] =	vst v63  }
0x177: {  	s9 =	rddreg [dreg:$0x8]  }
0x178: {  	[spmem:s2] =	stream.indirect.scatter.add.f32 [tilespmem:s13], [sflag:$0x3], $0x80, s9, s12, $0xb8;
	[tilespmem:$0x1D000] =	vst v63  }
0x179: {  	_ =	swait.ge [sflag:s16], $0x4000  }
0x17a: {  	[sflag:s16] =	ssyncset.done $0x0  }
0x17b: {  	[sflag:s16] =	ssyncadd.s32 $0xFFFFC000  }
0x17c: {  	_ =	swait.ge [sflag:s17], $0x4000  }
0x17d: {  	[sflag:s17] =	ssyncset.done $0x0  }
0x17e: {  	s8 =	rddreg [dreg:$0x9];
	[sflag:s17] =	ssyncadd.s32 $0xFFFFC000  }
0x17f: {  	[tilespmem:s13], [sflag:$0x1] =	stream.indirect.gather [hbm4b:s4+s12], $0x80, s8, s12, $0xb8;
	[tilespmem:$0x1D000] =	vst v63  }
0x180: {  	s9 =	rddreg [dreg:$0xa]  }
0x181: {  	[spmem:s2] =	stream.indirect.scatter.add.f32 [tilespmem:s15], [sflag:$0x4], $0x80, s9, s12, $0xb8;
	[tilespmem:$0x1D000] =	vst v63  }
0x182: {  	_ =	swait.ge [sflag:s14], $0x4000  }
0x183: {  	[sflag:s14] =	ssyncset.done $0x0  }
0x184: {  	[sflag:s14] =	ssyncadd.s32 $0xFFFFC000  }
0x185: {  	_ =	swait.ge [sflag:s18], $0x4000  }
0x186: {  	[sflag:s18] =	ssyncset.done $0x0  }
0x187: {  	s8 =	rddreg [dreg:$0xb];
	[sflag:s18] =	ssyncadd.s32 $0xFFFFC000  }
0x188: {  	[tilespmem:s15], [sflag:$0x2] =	stream.indirect.gather [hbm4b:s4+s12], $0x80, s8, s12, $0xb8;
	[tilespmem:$0x1D000] =	vst v63  }
0x189: {  	s9 =	rddreg [dreg:$0xc]  }
0x18a: {  	[spmem:s2] =	stream.indirect.scatter.add.f32 [tilespmem:s13], [sflag:$0x3], $0x80, s9, s12, $0xb8;
	[tilespmem:$0x1D000] =	vst v63  }
0x18b: {  	_ =	swait.ge [sflag:s16], $0x4000  }
0x18c: {  	[sflag:s16] =	ssyncset.done $0x0  }
0x18d: {  	[sflag:s16] =	ssyncadd.s32 $0xFFFFC000  }
0x18e: {  	_ =	swait.ge [sflag:s17], $0x4000  }
0x18f: {  	[sflag:s17] =	ssyncset.done $0x0  }
0x190: {  	s8 =	rddreg [dreg:$0xd];
	[sflag:s17] =	ssyncadd.s32 $0xFFFFC000  }
0x191: {  	[tilespmem:s13], [sflag:$0x1] =	stream.indirect.gather [hbm4b:s4+s12], $0x80, s8, s12, $0xb8;
	[tilespmem:$0x1D000] =	vst v63  }
0x192: {  	s9 =	rddreg [dreg:$0xe]  }
0x193: {  	[spmem:s2] =	stream.indirect.scatter.add.f32 [tilespmem:s15], [sflag:$0x4], $0x80, s9, s12, $0xb8;
	[tilespmem:$0x1D000] =	vst v63  }
0x194: {  	_ =	swait.ge [sflag:s14], $0x4000  }
0x195: {  	[sflag:s14] =	ssyncset.done $0x0  }
0x196: {  	[sflag:s14] =	ssyncadd.s32 $0xFFFFC000  }
0x197: {  	_ =	swait.ge [sflag:s18], $0x4000  }
0x198: {  	[sflag:s18] =	ssyncset.done $0x0  }
0x199: {  	s8 =	rddreg [dreg:$0xf];
	[sflag:s18] =	ssyncadd.s32 $0xFFFFC000  }
0x19a: {  	[tilespmem:s15], [sflag:$0x2] =	stream.indirect.gather [hbm4b:s4+s12], $0x80, s8, s12, $0xb8;
	[tilespmem:$0x1D000] =	vst v63  }
0x19b: {  	s9 =	rddreg [dreg:$0x10]  }
0x19c: {  	[spmem:s2] =	stream.indirect.scatter.add.f32 [tilespmem:s13], [sflag:$0x3], $0x80, s9, s12, $0xb8;
	[tilespmem:$0x1D000] =	vst v63  }
0x19d: {  	_ =	swait.ge [sflag:s16], $0x4000  }
0x19e: {  	[sflag:s16] =	ssyncset.done $0x0  }
0x19f: {  	[sflag:s16] =	ssyncadd.s32 $0xFFFFC000  }
0x1a0: {  	_ =	swait.ge [sflag:s17], $0x4000  }
0x1a1: {  	[sflag:s17] =	ssyncset.done $0x0  }
0x1a2: {  	s7 =	rddreg [dreg:$0x11];
	[sflag:s17] =	ssyncadd.s32 $0xFFFFC000  }
0x1a3: {  	[tilespmem:s13], [sflag:$0x1] =	stream.indirect.gather [hbm4b:s4+s12], $0x80, s7, s12, $0xb8;
	[tilespmem:$0x1D000] =	vst v63  }
0x1a4: {  	s8 =	rddreg [dreg:$0x12]  }
0x1a5: {  	[spmem:s2] =	stream.indirect.scatter.add.f32 [tilespmem:s15], [sflag:$0x4], $0x80, s8, s12, $0xb8;
	[tilespmem:$0x1D000] =	vst v63  }
0x1a6: {  	_ =	swait.ge [sflag:s14], $0x4000  }
0x1a7: {  	[sflag:s14] =	ssyncset.done $0x0  }
0x1a8: {  	[sflag:s14] =	ssyncadd.s32 $0xFFFFC000  }
0x1a9: {  	_ =	swait.ge [sflag:s18], $0x4000  }
0x1aa: {  	[sflag:s18] =	ssyncset.done $0x0  }
0x1ab: {  	[sflag:s18] =	ssyncadd.s32 $0xFFFFC000  }
0x1ac: {  	[tilespmem:s15], [sflag:$0x2] =	stream.indirect.gather [hbm4b:s4+s12], $0x80, s19, s12, $0xb8;
	[tilespmem:$0x1D000] =	vst v63  }
0x1ad: {  	_ = 	snop  }
0x1ae: {  	[spmem:s2] =	stream.indirect.scatter.add.f32 [tilespmem:s13], [sflag:$0x3], $0x80, s20, s12, $0xb8;
	[tilespmem:$0x1D000] =	vst v63  }
0x1af: {  	_ =	swait.ge [sflag:s16], $0x4000  }
0x1b0: {  	[sflag:s16] =	ssyncset.done $0x0  }
0x1b1: {  	[sflag:s16] =	ssyncadd.s32 $0xFFFFC000  }
0x1b2: {  	_ =	swait.ge [sflag:s17], $0x4000  }
0x1b3: {  	[sflag:s17] =	ssyncset.done $0x0  }
0x1b4: {  	[sflag:s17] =	ssyncadd.s32 $0xFFFFC000  }
0x1b5: {  	[tilespmem:s13], [sflag:$0x1] =	stream.indirect.gather [hbm4b:s4+s12], $0x80, s21, s12, $0xb8;
	[tilespmem:$0x1D000] =	vst v63  }
0x1b6: {  	_ = 	snop  }
0x1b7: {  	[spmem:s2] =	stream.indirect.scatter.add.f32 [tilespmem:s15], [sflag:$0x4], $0x80, s22, s12, $0xb8;
	[tilespmem:$0x1D000] =	vst v63  }
0x1b8: {  	_ =	swait.ge [sflag:s14], $0x4000  }
0x1b9: {  	[sflag:s14] =	ssyncset.done $0x0  }
0x1ba: {  	[sflag:s14] =	ssyncadd.s32 $0xFFFFC000  }
0x1bb: {  	_ =	swait.ge [sflag:s18], $0x4000  }
0x1bc: {  	[sflag:s18] =	ssyncset.done $0x0  }
0x1bd: {  	[sflag:s18] =	ssyncadd.s32 $0xFFFFC000  }
0x1be: {  	[tilespmem:s15], [sflag:$0x2] =	stream.indirect.gather [hbm4b:s4+s12], $0x80, s23, s12, $0xb8;
	[tilespmem:$0x1D000] =	vst v63  }
0x1bf: {  	_ = 	snop  }
0x1c0: {  	[spmem:s2] =	stream.indirect.scatter.add.f32 [tilespmem:s13], [sflag:$0x3], $0x80, s24, s12, $0xb8;
	[tilespmem:$0x1D000] =	vst v63  }
0x1c1: {  	_ =	swait.ge [sflag:s16], $0x4000  }
0x1c2: {  	[sflag:s16] =	ssyncset.done $0x0  }
0x1c3: {  	[sflag:s16] =	ssyncadd.s32 $0xFFFFC000  }
0x1c4: {  	_ =	swait.ge [sflag:s17], $0x4000  }
0x1c5: {  	[sflag:s17] =	ssyncset.done $0x0  }
0x1c6: {  	[sflag:s17] =	ssyncadd.s32 $0xFFFFC000  }
0x1c7: {  	[tilespmem:s13], [sflag:$0x1] =	stream.indirect.gather [hbm4b:s4+s12], $0x80, s25, s12, $0xb8;
	[tilespmem:$0x1D000] =	vst v63  }
0x1c8: {  	_ = 	snop  }
0x1c9: {  	[spmem:s2] =	stream.indirect.scatter.add.f32 [tilespmem:s15], [sflag:$0x4], $0x80, s26, s12, $0xb8;
	[tilespmem:$0x1D000] =	vst v63  }
0x1ca: {  	_ =	swait.ge [sflag:s14], $0x4000  }
0x1cb: {  	[sflag:s14] =	ssyncset.done $0x0  }
0x1cc: {  	[sflag:s14] =	ssyncadd.s32 $0xFFFFC000  }
0x1cd: {  	_ =	swait.ge [sflag:s18], $0x4000  }
0x1ce: {  	[sflag:s18] =	ssyncset.done $0x0  }
0x1cf: {  	[sflag:s18] =	ssyncadd.s32 $0xFFFFC000  }
0x1d0: {  	[tilespmem:s15], [sflag:$0x2] =	stream.indirect.gather [hbm4b:s4+s12], $0x80, s28, s12, $0xb8;
	[tilespmem:$0x1D000] =	vst v63  }
0x1d1: {  	_ = 	snop  }
0x1d2: {  	[spmem:s2] =	stream.indirect.scatter.add.f32 [tilespmem:s13], [sflag:$0x3], $0x80, s29, s12, $0xb8;
	[tilespmem:$0x1D000] =	vst v63  }
0x1d3: {  	_ =	swait.ge [sflag:s16], $0x4000  }
0x1d4: {  	[sflag:s16] =	ssyncset.done $0x0  }
0x1d5: {  	[sflag:s16] =	ssyncadd.s32 $0xFFFFC000  }
0x1d6: {  	_ =	swait.ge [sflag:s17], $0x4000  }
0x1d7: {  	[sflag:s17] =	ssyncset.done $0x0  }
0x1d8: {  	[sflag:s17] =	ssyncadd.s32 $0xFFFFC000  }
0x1d9: {  	[tilespmem:s13], [sflag:$0x1] =	stream.indirect.gather [hbm4b:s4+s12], $0x80, s30, s12, $0xb8;
	[tilespmem:$0x1D000] =	vst v63  }
0x1da: {  	_ = 	snop  }
0x1db: {  	[spmem:s2] =	stream.indirect.scatter.add.f32 [tilespmem:s15], [sflag:$0x4], $0x80, s31, s12, $0xb8;
	[tilespmem:$0x1D000] =	vst v63  }
0x1dc: {  	_ =	swait.ge [sflag:s14], $0x4000  }
0x1dd: {  	[sflag:s14] =	ssyncset.done $0x0  }
0x1de: {  	[sflag:s14] =	ssyncadd.s32 $0xFFFFC000  }
0x1df: {  	_ =	swait.ge [sflag:s18], $0x4000  }
0x1e0: {  	[sflag:s18] =	ssyncset.done $0x0  }
0x1e1: {  	[sflag:s18] =	ssyncadd.s32 $0xFFFFC000  }
0x1e2: {  	[tilespmem:s15], [sflag:$0x2] =	stream.indirect.gather [hbm4b:s4+s12], $0x80, s1, s12, $0xb8;
	[tilespmem:$0x1D000] =	vst v63  }
0x1e3: {  	_ = 	snop  }
0x1e4: {  	[spmem:s2] =	stream.indirect.scatter.add.f32 [tilespmem:s13], [sflag:$0x3], $0x80, s0, s12, $0xb8;
	[tilespmem:$0x1D000] =	vst v63  }
0x1e5: {  	_ =	swait.ge [sflag:s16], $0x4000  }
0x1e6: {  	[sflag:s16] =	ssyncset.done $0x0  }
0x1e7: {  	[sflag:s16] =	ssyncadd.s32 $0xFFFFC000  }
0x1e8: {  	_ =	swait.ge [sflag:s17], $0x4000  }
0x1e9: {  	[sflag:s17] =	ssyncset.done $0x0  }
0x1ea: {  	[sflag:s17] =	ssyncadd.s32 $0xFFFFC000  }
0x1eb: {  	[spmem:s2] =	stream.indirect.scatter.add.f32 [tilespmem:s15], [sflag:$0x4], $0x80, s5, s12, $0xb8;
	[tilespmem:$0x1D000] =	vst v63  }
0x1ec: {  	_ =	swait.ge [sflag:s18], $0x4000  }
0x1ed: {  	[sflag:s18] =	ssyncset.done $0x0  }
0x1ee: {  	[sflag:s18] =	ssyncadd.s32 $0xFFFFC000  }
0x1ef: {  	[bflag:$0x0] =	sbarrier.arrive $0xFFFF  }
0x1f0: {  	s7 =	rddreg [dreg:$0x14]  }
0x1f1: {  	s9 =	rddreg [dreg:$0x15]  }
0x1f2: {  	s8 =	rddreg [dreg:$0x17]  }
0x1f3: {  	[hbm:s9], [sflag:s7] =	dma.local [spmem:s8], $0x2800  }
0x1f4: {  	_ =	swait.ge [sflag:s10], $0x2800  }
0x1f5: {  	s6 =	rddreg [dreg:$0x18]  }
0x1f6: {  	s9 =	sadd.s32 $0x1, s6;
	s6 =	rddreg [dreg:$0x16]  }
0x1f7: {  	p0 =	sne.s32 s9, s6  }
.Ltmp1:
0x1f8: {  	_ = 	snop;
	(pc) =	sbr.rel @p0 .LBB2_1-.Ltmp1, $3  }
0x1f9: {  	_ =	sdelay $0x1  }
0x1fa: {  	[sflag:s10] =	ssyncset.done $0x0  }
0x1fb: {  	[sflag:s10] =	ssyncadd.s32 $0xFFFFD800  }
0x1fc: {  	_ =	sfence.sel $0x180000  }
0x1fd: {  	[bflag:$0x0] =	sbarrier.arrive $0xFFFF  }
0x1fe: {  	_ =	strace $0x90000047  }
0x1ff: {  	s0 =	stileid.u32;
	[bflag:$0x2] =	sbarrier.arrive $0xFFFF  }
0x200: {  	p0 =	sne.s32 s0, $0x0;
	s0 =	rddreg [dreg:$0x2]  }
0x201: {  	s0 =	sadd.s32 @!p0 $0x100000, s0  }
0x202: {  	[sflag:s0] =	ssyncadd.tile.s32 @!p0 $0x1;
	_ =	shalt  }
.Lfunc_end2:
_tile_overlayer_lowered:
.L_overlay_start_2:
0x203: {  	(tag) =	ssettag $0x2  }
0x204: {  	s0 =	rddreg [dreg:$0x0];
	s2 =	stileid.u32  }
0x205: {  	s1 =	rddreg [dreg:$0x1];
	p0 =	sne.s32 s2, $0x0  }
0x206: {  	s3 =	rddreg [dreg:$0x2];
	[bflag:$0x3] =	sbarrier.arrive $0xFFFF;
	s2 =	simm.s32 @!p0 $0x1C05  }
0x207: {  	[timem:s3], [sflag:s2] =	dma.local @!p0 [hbm:s0], s1  }
0x208: {  	s0 =	simm.s32 @!p0 $0x5  }
0x209: {  	_ =	swait.ge @!p0 [sflag:s0], s1  }
0x20a: {  	s1 =	ssub.s32 @!p0 $0x0, s1;
	[sflag:s0] =	ssyncset.done @!p0 $0x0  }
0x20b: {  	[sflag:s0] =	ssyncadd.s32 @!p0 s1  }
0x20c: {  	[bflag:$0x3] =	sbarrier.arrive $0xFFFF  }
0x20d: {  	_ =	shalt  }

</sc_bundles>
